<compile_context>
chip_gen: v7x
topology: tpu7x:2x2x1
jax: 0.10.2.dev20260603
libtpu: 0.0.44.dev20260713+nightly
codegen_flags: <defaults>
</compile_context>

<pallas_src>
import jax
import jax.numpy as jnp
from jax import lax
from jax.experimental import pallas as pl
from jax.experimental.pallas import tpu as pltpu
from jax.experimental.pallas import tpu_sc as plsc

NENTITY = 100000
NREL = 500
DIM = 128
B = 4096
NNEG = 128
GAMMA = 24.0
ALPHA = 2e-2

NC, NS = 2, 16
NW = NC * NS
QPW = B // NW
NB = DIM // 32

_ABSM = 0x7FFF7FFF


def _bf(x_i32):
    return plsc.bitcast(x_i32, jnp.bfloat16)


def _i32(x_bf):
    return plsc.bitcast(x_bf, jnp.int32)


def _body(eid_hbm, rid_hbm, nidx_hbm, ent_hbm, off_hbm, ans_hbm,
          tmul_hbm, tadd_hbm, smul_hbm, sadd_hbm, out_hbm,
          eid_v, rid_v, nidx_v, cen_v, ofs_v, bufa, bufb, rel2, out_v,
          sema, semb, semp):
    wid = lax.axis_index("s") * NC + lax.axis_index("c")
    base = wid * QPW

    pltpu.sync_copy(eid_hbm.at[pl.ds(base, QPW)], eid_v)
    pltpu.sync_copy(rid_hbm.at[pl.ds(base, QPW)], rid_v)
    pltpu.sync_copy(nidx_hbm.at[pl.ds(base, QPW)], nidx_v)

    pltpu.async_copy(ans_hbm.at[nidx_v.at[0]], bufa, sema)
    pltpu.async_copy(ans_hbm.at[nidx_v.at[1]], bufb, semb)

    pltpu.async_copy(ent_hbm.at[eid_v], cen_v, semp)
    pltpu.async_copy(tmul_hbm.at[rid_v], out_v, semp)
    pltpu.async_copy(tadd_hbm.at[rid_v], rel2, semp)
    pltpu.make_async_copy(ent_hbm.at[eid_v], cen_v, semp).wait()
    pltpu.make_async_copy(tmul_hbm.at[rid_v], out_v, semp).wait()
    pltpu.make_async_copy(tadd_hbm.at[rid_v], rel2, semp).wait()

    def cen_body(q, _):
        for j in range(DIM // 16):
            sl = pl.ds(16 * j, 16)
            cen_v[q, sl] = cen_v[q, sl] * out_v[q, sl] + rel2[q, sl]
        return _
    lax.fori_loop(0, QPW, cen_body, None)

    pltpu.async_copy(off_hbm.at[eid_v], ofs_v, semp)
    pltpu.async_copy(smul_hbm.at[rid_v], out_v, semp)
    pltpu.async_copy(sadd_hbm.at[rid_v], rel2, semp)
    pltpu.make_async_copy(off_hbm.at[eid_v], ofs_v, semp).wait()
    pltpu.make_async_copy(smul_hbm.at[rid_v], out_v, semp).wait()
    pltpu.make_async_copy(sadd_hbm.at[rid_v], rel2, semp).wait()

    def ofs_body(q, _):
        for j in range(DIM // 16):
            sl = pl.ds(16 * j, 16)
            ofs_v[q, sl] = ofs_v[q, sl] * jnp.abs(out_v[q, sl]) + jnp.abs(rel2[q, sl])
        return _
    lax.fori_loop(0, QPW, ofs_body, None)

    C1 = 1.0 - ALPHA

    lane = jnp.arange(16, dtype=jnp.int32)
    lane15 = lane == 15
    bzeros = jnp.zeros((32,), jnp.bfloat16)
    kvec = jnp.full((32,), ALPHA / C1, jnp.bfloat16)

    def pk(a, b):
        return plsc.pack(a, b, format=plsc.PackFormat.INTERLEAVED)

    def compute(q, buf):
        cs = [pk(cen_v[q, pl.ds(32 * j, 16)], cen_v[q, pl.ds(32 * j + 16, 16)])
              for j in range(NB)]
        os_ = [pk(ofs_v[q, pl.ds(32 * j, 16)], ofs_v[q, pl.ds(32 * j + 16, 16)])
               for j in range(NB)]
        qv = jnp.broadcast_to(q, (16,)).astype(jnp.int32)

        @plsc.parallel_loop(0, NNEG, unroll=4)
        def nbody(n):
            acc_r = bzeros
            acc_d = bzeros
            for j in range(NB):
                v = pk(buf[n, pl.ds(32 * j, 16)], buf[n, pl.ds(32 * j + 16, 16)])
                dd = _bf(_i32(v - cs[j]) & _ABSM)
                r = jnp.maximum(dd - os_[j], bzeros)
                acc_r = acc_r + r
                acc_d = acc_d + dd
            comb = acc_r + kvec * acc_d
            ca, cb = plsc.unpack(comb, format=plsc.PackFormat.INTERLEAVED)
            s = jnp.cumsum(GAMMA / 16.0 - C1 * (ca + cb))
            nvv = jnp.broadcast_to(n, (16,)).astype(jnp.int32)
            plsc.store_scatter(out_v, [qv, nvv], s, mask=lane15)

    def qbody(q2, _):
        q = 2 * q2
        pltpu.make_async_copy(ans_hbm.at[nidx_v.at[q]], bufa, sema).wait()
        compute(q, bufa)

        @pl.when(q2 < QPW // 2 - 1)
        def _():
            pltpu.async_copy(ans_hbm.at[nidx_v.at[q + 2]], bufa, sema)
        pltpu.make_async_copy(ans_hbm.at[nidx_v.at[q + 1]], bufb, semb).wait()
        compute(q + 1, bufb)

        @pl.when(q2 < QPW // 2 - 1)
        def _():
            pltpu.async_copy(ans_hbm.at[nidx_v.at[q + 3]], bufb, semb)
        return _
    lax.fori_loop(0, QPW // 2, qbody, None)

    pltpu.sync_copy(out_v, out_hbm.at[pl.ds(base, QPW)])


@jax.jit
def _sc_call(eids, rids, nidx, ent, off, ans, tmul, tadd, smul, sadd):
    mesh = plsc.VectorSubcoreMesh(core_axis_name="c", subcore_axis_name="s",
                                  num_cores=NC, num_subcores=NS)
    return pl.kernel(
        _body,
        out_type=jax.ShapeDtypeStruct((B, NNEG), jnp.float32),
        mesh=mesh,
        compiler_params=pltpu.CompilerParams(needs_layout_passes=False),
        scratch_types=[
            pltpu.VMEM((QPW,), jnp.int32),
            pltpu.VMEM((QPW,), jnp.int32),
            pltpu.VMEM((QPW, NNEG), jnp.int32),
            pltpu.VMEM((QPW, DIM), jnp.float32),
            pltpu.VMEM((QPW, DIM), jnp.float32),
            pltpu.VMEM((NNEG, DIM), jnp.float32),
            pltpu.VMEM((NNEG, DIM), jnp.float32),
            pltpu.VMEM((QPW, DIM), jnp.float32),
            pltpu.VMEM((QPW, NNEG), jnp.float32),
            pltpu.SemaphoreType.DMA,
            pltpu.SemaphoreType.DMA,
            pltpu.SemaphoreType.DMA,
        ],
    )(eids, rids, nidx, ent, off, ans, tmul, tadd, smul, sadd)


def kernel(entity_ids, relation_ids, negative_sample, entity_embedding,
           offset_embedding, answer_embedding, translation_mul,
           translation_add, scaling_mul, scaling_add):
    return _sc_call(entity_ids.astype(jnp.int32),
                    relation_ids.astype(jnp.int32),
                    negative_sample.astype(jnp.int32),
                    entity_embedding, offset_embedding, answer_embedding,
                    translation_mul, translation_add, scaling_mul, scaling_add)

# --- scband reference (transcript-rebuilt; emitter-appended) ---
"""Pipeline reference for scband-kgreasoning-38551626449608 (READ-ONLY COPY).

The authoritative reference and input builder live on the scoring server;
editing this copy changes nothing except your own understanding.
"""

import jax, jax.numpy as jnp
import numpy as np

NENTITY = 100000
NREL = 500
DIM = 128
B = 4096
NNEG = 128
GAMMA = 24.0
ALPHA = 0.02
EPSILON = 2.0
ER = (GAMMA + EPSILON) / DIM  # embedding_range


def setup_inputs(seed: int = 0) -> dict:
    key = jax.random.key(seed)
    ks = jax.random.split(key, 10)
    entity_ids = jax.random.randint(ks[0], (B,), 0, NENTITY, dtype=jnp.int64 if jax.config.jax_enable_x64 else jnp.int32)
    relation_ids = jax.random.randint(ks[1], (B,), 0, NREL, dtype=entity_ids.dtype)
    negative_sample = jax.random.randint(ks[2], (B, NNEG), 0, NENTITY, dtype=entity_ids.dtype)
    entity_embedding = jax.random.uniform(ks[3], (NENTITY, DIM), minval=-ER, maxval=ER, dtype=jnp.float32)
    offset_embedding = jax.random.uniform(ks[4], (NENTITY, DIM), minval=0.0, maxval=ER, dtype=jnp.float32)
    answer_embedding = jax.random.uniform(ks[5], (NENTITY, DIM), minval=-ER, maxval=ER, dtype=jnp.float32)
    translation_mul = jax.random.uniform(ks[6], (NREL, DIM), minval=-ER, maxval=ER, dtype=jnp.float32)
    translation_add = jax.random.uniform(ks[7], (NREL, DIM), minval=-ER, maxval=ER, dtype=jnp.float32)
    scaling_mul = jax.random.uniform(ks[8], (NREL, DIM), minval=-ER, maxval=ER, dtype=jnp.float32)
    scaling_add = jax.random.uniform(ks[9], (NREL, DIM), minval=-ER, maxval=ER, dtype=jnp.float32)
    return {
        'entity_ids': entity_ids,
        'relation_ids': relation_ids,
        'negative_sample': negative_sample,
        'entity_embedding': entity_embedding,
        'offset_embedding': offset_embedding,
        'answer_embedding': answer_embedding,
        'translation_mul': translation_mul,
        'translation_add': translation_add,
        'scaling_mul': scaling_mul,
        'scaling_add': scaling_add,
    }


def reference(entity_ids, relation_ids, negative_sample, entity_embedding,
              offset_embedding, answer_embedding, translation_mul,
              translation_add, scaling_mul, scaling_add):
    # embedding_1p: anchor entity box projected through relation (translation + scaling)
    center = jnp.take(entity_embedding, entity_ids, axis=0)          # [B, D]
    offset = jnp.take(offset_embedding, entity_ids, axis=0)          # [B, D]
    t_mul = jnp.take(translation_mul, relation_ids, axis=0)          # [B, D]
    t_add = jnp.take(translation_add, relation_ids, axis=0)
    s_mul = jnp.take(scaling_mul, relation_ids, axis=0)
    s_add = jnp.take(scaling_add, relation_ids, axis=0)
    center = center * t_mul + t_add
    offset = offset * jnp.abs(s_mul) + jnp.abs(s_add)
    # cal_logit_box against negative answer candidates
    neg = jnp.take(answer_embedding, negative_sample.reshape(-1), axis=0)
    neg = neg.reshape(negative_sample.shape[0], negative_sample.shape[1], -1)  # [B, N, D]
    delta = jnp.abs(neg - center[:, None, :])
    dist_out = jax.nn.relu(delta - offset[:, None, :])
    dist_in = jnp.minimum(delta, offset[:, None, :])
    logit = GAMMA - jnp.sum(dist_out, axis=-1) - ALPHA * jnp.sum(dist_in, axis=-1)
    return logit  # [B, NNEG]

if __name__ == "__main__":
    import jax
    _d = setup_inputs()
    print(jax.jit(kernel)(*tuple(_d.values())))

</pallas_src>

<mosaic_0001>
#map = affine_map<(d0, d1) -> (0)>
#map1 = affine_map<(d0, d1) -> (0, 0)>
module attributes {stable_mosaic.version = 14 : i64} {
  func.func @_body(%arg0: i32, %arg1: i32, %arg2: memref<4096xi32, #tpu.memory_space<hbm>>, %arg3: memref<4096xi32, #tpu.memory_space<hbm>>, %arg4: memref<4096x128xi32, #tpu.memory_space<hbm>>, %arg5: memref<100000x128xf32, #tpu.memory_space<hbm>>, %arg6: memref<100000x128xf32, #tpu.memory_space<hbm>>, %arg7: memref<100000x128xf32, #tpu.memory_space<hbm>>, %arg8: memref<500x128xf32, #tpu.memory_space<hbm>>, %arg9: memref<500x128xf32, #tpu.memory_space<hbm>>, %arg10: memref<500x128xf32, #tpu.memory_space<hbm>>, %arg11: memref<500x128xf32, #tpu.memory_space<hbm>>, %arg12: memref<4096x128xf32, #tpu.memory_space<hbm>>, %arg13: memref<128xi32, #tpu.memory_space<vmem>>, %arg14: memref<128xi32, #tpu.memory_space<vmem>>, %arg15: memref<128x128xi32, #tpu.memory_space<vmem>>, %arg16: memref<128x128xf32, #tpu.memory_space<vmem>>, %arg17: memref<128x128xf32, #tpu.memory_space<vmem>>, %arg18: memref<128x128xf32, #tpu.memory_space<vmem>>, %arg19: memref<128x128xf32, #tpu.memory_space<vmem>>, %arg20: memref<128x128xf32, #tpu.memory_space<vmem>>, %arg21: memref<128x128xf32, #tpu.memory_space<vmem>>, %arg22: memref<!tpu.dma_semaphore, #tpu.memory_space<semaphore_mem>>, %arg23: memref<!tpu.dma_semaphore, #tpu.memory_space<semaphore_mem>>, %arg24: memref<!tpu.dma_semaphore, #tpu.memory_space<semaphore_mem>>) attributes {dimension_semantics = [#tpu.dimension_semantics<core_parallel>, #tpu.dimension_semantics<subcore_parallel>], iteration_bounds = array<i64: 2, 16>, scalar_prefetch = 0 : i64, scratch_operands = 12 : i64, tpu.core_type = #tpu.core_type<sc_vector_subcore>, window_params = [{transform_indices = #map}, {transform_indices = #map}, {transform_indices = #map1}, {transform_indices = #map1}, {transform_indices = #map1}, {transform_indices = #map1}, {transform_indices = #map1}, {transform_indices = #map1}, {transform_indices = #map1}, {transform_indices = #map1}, {transform_indices = #map1}]} {
    %mul3A = arith.constant 2 : i32
    %mul3A_0 = arith.muli %arg1, %mul3A : i32
    %add3A = arith.addi %mul3A_0, %arg0 : i32
    %mul3A_1 = arith.constant 128 : i32
    %mul3A_2 = arith.muli %add3A, %mul3A_1 : i32
    "tpu.region"() ({
      %run_scoped3A = tpu.sem_alloc : memref<!tpu.dma_semaphore, #tpu.memory_space<semaphore_mem>>
      %dma_start3A_70 = tpu.memref_slice %arg2[%mul3A_2] : memref<4096xi32, #tpu.memory_space<hbm>> -> memref<128xi32, #tpu.memory_space<hbm>>
      %dma_start3A_71 = tpu.memref_slice %arg2[%mul3A_2] : memref<4096xi32, #tpu.memory_space<hbm>> -> memref<128xi32, #tpu.memory_space<hbm>>
      tpu.enqueue_dma source(%dma_start3A_71 : memref<128xi32, #tpu.memory_space<hbm>>) target(%arg13 : memref<128xi32, #tpu.memory_space<vmem>>) target_semaphore(%run_scoped3A : memref<!tpu.dma_semaphore, #tpu.memory_space<semaphore_mem>>)
      %dma_wait3A_72 = tpu.memref_slice %arg2[%mul3A_2] : memref<4096xi32, #tpu.memory_space<hbm>> -> memref<128xi32, #tpu.memory_space<hbm>>
      %dma_wait3A_73 = tpu.memref_slice %arg2[%mul3A_2] : memref<4096xi32, #tpu.memory_space<hbm>> -> memref<128xi32, #tpu.memory_space<hbm>>
      tpu.wait_dma2 semaphore(%run_scoped3A : memref<!tpu.dma_semaphore, #tpu.memory_space<semaphore_mem>>) src(%dma_wait3A_73 : memref<128xi32, #tpu.memory_space<hbm>>) dst(%arg13 : memref<128xi32, #tpu.memory_space<vmem>>)
      tpu.yield
    }) : () -> ()
    "tpu.region"() ({
      %run_scoped3A = tpu.sem_alloc : memref<!tpu.dma_semaphore, #tpu.memory_space<semaphore_mem>>
      %dma_start3A_70 = tpu.memref_slice %arg3[%mul3A_2] : memref<4096xi32, #tpu.memory_space<hbm>> -> memref<128xi32, #tpu.memory_space<hbm>>
      %dma_start3A_71 = tpu.memref_slice %arg3[%mul3A_2] : memref<4096xi32, #tpu.memory_space<hbm>> -> memref<128xi32, #tpu.memory_space<hbm>>
      tpu.enqueue_dma source(%dma_start3A_71 : memref<128xi32, #tpu.memory_space<hbm>>) target(%arg14 : memref<128xi32, #tpu.memory_space<vmem>>) target_semaphore(%run_scoped3A : memref<!tpu.dma_semaphore, #tpu.memory_space<semaphore_mem>>)
      %dma_wait3A_72 = tpu.memref_slice %arg3[%mul3A_2] : memref<4096xi32, #tpu.memory_space<hbm>> -> memref<128xi32, #tpu.memory_space<hbm>>
      %dma_wait3A_73 = tpu.memref_slice %arg3[%mul3A_2] : memref<4096xi32, #tpu.memory_space<hbm>> -> memref<128xi32, #tpu.memory_space<hbm>>
      tpu.wait_dma2 semaphore(%run_scoped3A : memref<!tpu.dma_semaphore, #tpu.memory_space<semaphore_mem>>) src(%dma_wait3A_73 : memref<128xi32, #tpu.memory_space<hbm>>) dst(%arg14 : memref<128xi32, #tpu.memory_space<vmem>>)
      tpu.yield
    }) : () -> ()
    "tpu.region"() ({
      %run_scoped3A = tpu.sem_alloc : memref<!tpu.dma_semaphore, #tpu.memory_space<semaphore_mem>>
      %dma_start3A_70 = arith.constant 0 : i32
      %dma_start3A_71 = tpu.memref_slice %arg4[%mul3A_2, %dma_start3A_70] : memref<4096x128xi32, #tpu.memory_space<hbm>> -> memref<128x128xi32, #tpu.memory_space<hbm>>
      %dma_start3A_72 = arith.constant 0 : i32
      %dma_start3A_73 = tpu.memref_slice %arg4[%mul3A_2, %dma_start3A_72] : memref<4096x128xi32, #tpu.memory_space<hbm>> -> memref<128x128xi32, #tpu.memory_space<hbm>>
      tpu.enqueue_dma source(%dma_start3A_73 : memref<128x128xi32, #tpu.memory_space<hbm>>) target(%arg15 : memref<128x128xi32, #tpu.memory_space<vmem>>) target_semaphore(%run_scoped3A : memref<!tpu.dma_semaphore, #tpu.memory_space<semaphore_mem>>)
      %dma_wait3A_74 = arith.constant 0 : i32
      %dma_wait3A_75 = tpu.memref_slice %arg4[%mul3A_2, %dma_wait3A_74] : memref<4096x128xi32, #tpu.memory_space<hbm>> -> memref<128x128xi32, #tpu.memory_space<hbm>>
      %dma_wait3A_76 = arith.constant 0 : i32
      %dma_wait3A_77 = tpu.memref_slice %arg4[%mul3A_2, %dma_wait3A_76] : memref<4096x128xi32, #tpu.memory_space<hbm>> -> memref<128x128xi32, #tpu.memory_space<hbm>>
      tpu.wait_dma2 semaphore(%run_scoped3A : memref<!tpu.dma_semaphore, #tpu.memory_space<semaphore_mem>>) src(%dma_wait3A_77 : memref<128x128xi32, #tpu.memory_space<hbm>>) dst(%arg15 : memref<128x128xi32, #tpu.memory_space<vmem>>)
      tpu.yield
    }) : () -> ()
    %dma_start3A = arith.constant 0 : i32
    %dma_start3A_3 = arith.constant 0 : i32
    %dma_start3A_4 = tpu.memref_slice %arg15[%dma_start3A, %dma_start3A_3] : memref<128x128xi32, #tpu.memory_space<vmem>> -> memref<1x128xi32, #tpu.memory_space<vmem>>
    %dma_start3A_5 = tpu.memref_squeeze %dma_start3A_4 : memref<1x128xi32, #tpu.memory_space<vmem>> -> memref<128xi32, #tpu.memory_space<vmem>>
    %dma_start3A_6 = arith.constant 0 : i32
    %dma_start3A_7 = arith.constant 0 : i32
    %dma_start3A_8 = tpu.memref_slice %arg7[%dma_start3A_6, %dma_start3A_7] : memref<100000x128xf32, #tpu.memory_space<hbm>> -> memref<100000x128xf32, #tpu.memory_space<hbm>>
    tpu.enqueue_indirect_dma source(%dma_start3A_8 : memref<100000x128xf32, #tpu.memory_space<hbm>>) target(%arg18 : memref<128x128xf32, #tpu.memory_space<vmem>>) offsets(%dma_start3A_5 : memref<128xi32, #tpu.memory_space<vmem>>) semaphore(%arg22 : memref<!tpu.dma_semaphore, #tpu.memory_space<semaphore_mem>>)
    %dma_start3A_9 = arith.constant 1 : i32
    %dma_start3A_10 = arith.constant 0 : i32
    %dma_start3A_11 = tpu.memref_slice %arg15[%dma_start3A_9, %dma_start3A_10] : memref<128x128xi32, #tpu.memory_space<vmem>> -> memref<1x128xi32, #tpu.memory_space<vmem>>
    %dma_start3A_12 = tpu.memref_squeeze %dma_start3A_11 : memref<1x128xi32, #tpu.memory_space<vmem>> -> memref<128xi32, #tpu.memory_space<vmem>>
    %dma_start3A_13 = arith.constant 0 : i32
    %dma_start3A_14 = arith.constant 0 : i32
    %dma_start3A_15 = tpu.memref_slice %arg7[%dma_start3A_13, %dma_start3A_14] : memref<100000x128xf32, #tpu.memory_space<hbm>> -> memref<100000x128xf32, #tpu.memory_space<hbm>>
    tpu.enqueue_indirect_dma source(%dma_start3A_15 : memref<100000x128xf32, #tpu.memory_space<hbm>>) target(%arg19 : memref<128x128xf32, #tpu.memory_space<vmem>>) offsets(%dma_start3A_12 : memref<128xi32, #tpu.memory_space<vmem>>) semaphore(%arg23 : memref<!tpu.dma_semaphore, #tpu.memory_space<semaphore_mem>>)
    %dma_start3A_16 = arith.constant 0 : i32
    %dma_start3A_17 = arith.constant 0 : i32
    %dma_start3A_18 = tpu.memref_slice %arg5[%dma_start3A_16, %dma_start3A_17] : memref<100000x128xf32, #tpu.memory_space<hbm>> -> memref<100000x128xf32, #tpu.memory_space<hbm>>
    tpu.enqueue_indirect_dma source(%dma_start3A_18 : memref<100000x128xf32, #tpu.memory_space<hbm>>) target(%arg16 : memref<128x128xf32, #tpu.memory_space<vmem>>) offsets(%arg13 : memref<128xi32, #tpu.memory_space<vmem>>) semaphore(%arg24 : memref<!tpu.dma_semaphore, #tpu.memory_space<semaphore_mem>>)
    %dma_start3A_19 = arith.constant 0 : i32
    %dma_start3A_20 = arith.constant 0 : i32
    %dma_start3A_21 = tpu.memref_slice %arg8[%dma_start3A_19, %dma_start3A_20] : memref<500x128xf32, #tpu.memory_space<hbm>> -> memref<500x128xf32, #tpu.memory_space<hbm>>
    tpu.enqueue_indirect_dma source(%dma_start3A_21 : memref<500x128xf32, #tpu.memory_space<hbm>>) target(%arg21 : memref<128x128xf32, #tpu.memory_space<vmem>>) offsets(%arg14 : memref<128xi32, #tpu.memory_space<vmem>>) semaphore(%arg24 : memref<!tpu.dma_semaphore, #tpu.memory_space<semaphore_mem>>)
    %dma_start3A_22 = arith.constant 0 : i32
    %dma_start3A_23 = arith.constant 0 : i32
    %dma_start3A_24 = tpu.memref_slice %arg9[%dma_start3A_22, %dma_start3A_23] : memref<500x128xf32, #tpu.memory_space<hbm>> -> memref<500x128xf32, #tpu.memory_space<hbm>>
    tpu.enqueue_indirect_dma source(%dma_start3A_24 : memref<500x128xf32, #tpu.memory_space<hbm>>) target(%arg20 : memref<128x128xf32, #tpu.memory_space<vmem>>) offsets(%arg14 : memref<128xi32, #tpu.memory_space<vmem>>) semaphore(%arg24 : memref<!tpu.dma_semaphore, #tpu.memory_space<semaphore_mem>>)
    %dma_wait3A = arith.constant 0 : i32
    %dma_wait3A_25 = arith.constant 0 : i32
    %dma_wait3A_26 = tpu.memref_slice %arg5[%dma_wait3A, %dma_wait3A_25] : memref<100000x128xf32, #tpu.memory_space<hbm>> -> memref<100000x128xf32, #tpu.memory_space<hbm>>
    tpu.wait_indirect_dma semaphore(%arg24 : memref<!tpu.dma_semaphore, #tpu.memory_space<semaphore_mem>>) src(%dma_wait3A_26 : memref<100000x128xf32, #tpu.memory_space<hbm>>) dst(%arg16 : memref<128x128xf32, #tpu.memory_space<vmem>>)
    %dma_wait3A_27 = arith.constant 0 : i32
    %dma_wait3A_28 = arith.constant 0 : i32
    %dma_wait3A_29 = tpu.memref_slice %arg8[%dma_wait3A_27, %dma_wait3A_28] : memref<500x128xf32, #tpu.memory_space<hbm>> -> memref<500x128xf32, #tpu.memory_space<hbm>>
    tpu.wait_indirect_dma semaphore(%arg24 : memref<!tpu.dma_semaphore, #tpu.memory_space<semaphore_mem>>) src(%dma_wait3A_29 : memref<500x128xf32, #tpu.memory_space<hbm>>) dst(%arg21 : memref<128x128xf32, #tpu.memory_space<vmem>>)
    %dma_wait3A_30 = arith.constant 0 : i32
    %dma_wait3A_31 = arith.constant 0 : i32
    %dma_wait3A_32 = tpu.memref_slice %arg9[%dma_wait3A_30, %dma_wait3A_31] : memref<500x128xf32, #tpu.memory_space<hbm>> -> memref<500x128xf32, #tpu.memory_space<hbm>>
    tpu.wait_indirect_dma semaphore(%arg24 : memref<!tpu.dma_semaphore, #tpu.memory_space<semaphore_mem>>) src(%dma_wait3A_32 : memref<500x128xf32, #tpu.memory_space<hbm>>) dst(%arg20 : memref<128x128xf32, #tpu.memory_space<vmem>>)
    %scan3A = arith.constant 0 : i32
    %scan3A_33 = arith.constant 128 : i32
    %scan3A_34 = arith.addi %scan3A, %scan3A_33 : i32
    %scan3A_35 = arith.constant 1 : i32
    scf.for %scan3A_70 = %scan3A to %scan3A_34 step %scan3A_35  : i32 {
      %get3A = arith.index_cast %scan3A_70 : i32 to index
      %get3A_71 = arith.constant 0 : index
      %get3A_72 = tpu.vector_load %arg16[%get3A, %get3A_71] {strides = array<i32>} : memref<128x128xf32, #tpu.memory_space<vmem>>, vector<16xf32>,
      %get3A_73 = arith.index_cast %scan3A_70 : i32 to index
      %get3A_74 = arith.constant 0 : index
      %get3A_75 = tpu.vector_load %arg21[%get3A_73, %get3A_74] {strides = array<i32>} : memref<128x128xf32, #tpu.memory_space<vmem>>, vector<16xf32>,
      %mul3A_76 = arith.mulf %get3A_72, %get3A_75 : vector<16xf32>
      %get3A_77 = arith.index_cast %scan3A_70 : i32 to index
      %get3A_78 = arith.constant 0 : index
      %get3A_79 = tpu.vector_load %arg20[%get3A_77, %get3A_78] {strides = array<i32>} : memref<128x128xf32, #tpu.memory_space<vmem>>, vector<16xf32>,
      %add3A_80 = arith.addf %mul3A_76, %get3A_79 : vector<16xf32>
      %swap3A = arith.index_cast %scan3A_70 : i32 to index
      %swap3A_81 = arith.constant 0 : index
      %swap3A_82 = tpu.vector_load %arg16[%swap3A, %swap3A_81] {strides = array<i32>} : memref<128x128xf32, #tpu.memory_space<vmem>>, vector<16xf32>,
      tpu.vector_store %arg16[%swap3A, %swap3A_81], %add3A_80 {strides = array<i32>} : memref<128x128xf32, #tpu.memory_space<vmem>>, vector<16xf32>,
      %get3A_83 = arith.index_cast %scan3A_70 : i32 to index
      %get3A_84 = arith.constant 16 : index
      %get3A_85 = tpu.vector_load %arg16[%get3A_83, %get3A_84] {strides = array<i32>} : memref<128x128xf32, #tpu.memory_space<vmem>>, vector<16xf32>,
      %get3A_86 = arith.index_cast %scan3A_70 : i32 to index
      %get3A_87 = arith.constant 16 : index
      %get3A_88 = tpu.vector_load %arg21[%get3A_86, %get3A_87] {strides = array<i32>} : memref<128x128xf32, #tpu.memory_space<vmem>>, vector<16xf32>,
      %mul3A_89 = arith.mulf %get3A_85, %get3A_88 : vector<16xf32>
      %get3A_90 = arith.index_cast %scan3A_70 : i32 to index
      %get3A_91 = arith.constant 16 : index
      %get3A_92 = tpu.vector_load %arg20[%get3A_90, %get3A_91] {strides = array<i32>} : memref<128x128xf32, #tpu.memory_space<vmem>>, vector<16xf32>,
      %add3A_93 = arith.addf %mul3A_89, %get3A_92 : vector<16xf32>
      %swap3A_94 = arith.index_cast %scan3A_70 : i32 to index
      %swap3A_95 = arith.constant 16 : index
      %swap3A_96 = tpu.vector_load %arg16[%swap3A_94, %swap3A_95] {strides = array<i32>} : memref<128x128xf32, #tpu.memory_space<vmem>>, vector<16xf32>,
      tpu.vector_store %arg16[%swap3A_94, %swap3A_95], %add3A_93 {strides = array<i32>} : memref<128x128xf32, #tpu.memory_space<vmem>>, vector<16xf32>,
      %get3A_97 = arith.index_cast %scan3A_70 : i32 to index
      %get3A_98 = arith.constant 32 : index
      %get3A_99 = tpu.vector_load %arg16[%get3A_97, %get3A_98] {strides = array<i32>} : memref<128x128xf32, #tpu.memory_space<vmem>>, vector<16xf32>,
      %get3A_100 = arith.index_cast %scan3A_70 : i32 to index
      %get3A_101 = arith.constant 32 : index
      %get3A_102 = tpu.vector_load %arg21[%get3A_100, %get3A_101] {strides = array<i32>} : memref<128x128xf32, #tpu.memory_space<vmem>>, vector<16xf32>,
      %mul3A_103 = arith.mulf %get3A_99, %get3A_102 : vector<16xf32>
      %get3A_104 = arith.index_cast %scan3A_70 : i32 to index
      %get3A_105 = arith.constant 32 : index
      %get3A_106 = tpu.vector_load %arg20[%get3A_104, %get3A_105] {strides = array<i32>} : memref<128x128xf32, #tpu.memory_space<vmem>>, vector<16xf32>,
      %add3A_107 = arith.addf %mul3A_103, %get3A_106 : vector<16xf32>
      %swap3A_108 = arith.index_cast %scan3A_70 : i32 to index
      %swap3A_109 = arith.constant 32 : index
      %swap3A_110 = tpu.vector_load %arg16[%swap3A_108, %swap3A_109] {strides = array<i32>} : memref<128x128xf32, #tpu.memory_space<vmem>>, vector<16xf32>,
      tpu.vector_store %arg16[%swap3A_108, %swap3A_109], %add3A_107 {strides = array<i32>} : memref<128x128xf32, #tpu.memory_space<vmem>>, vector<16xf32>,
      %get3A_111 = arith.index_cast %scan3A_70 : i32 to index
      %get3A_112 = arith.constant 48 : index
      %get3A_113 = tpu.vector_load %arg16[%get3A_111, %get3A_112] {strides = array<i32>} : memref<128x128xf32, #tpu.memory_space<vmem>>, vector<16xf32>,
      %get3A_114 = arith.index_cast %scan3A_70 : i32 to index
      %get3A_115 = arith.constant 48 : index
      %get3A_116 = tpu.vector_load %arg21[%get3A_114, %get3A_115] {strides = array<i32>} : memref<128x128xf32, #tpu.memory_space<vmem>>, vector<16xf32>,
      %mul3A_117 = arith.mulf %get3A_113, %get3A_116 : vector<16xf32>
      %get3A_118 = arith.index_cast %scan3A_70 : i32 to index
      %get3A_119 = arith.constant 48 : index
      %get3A_120 = tpu.vector_load %arg20[%get3A_118, %get3A_119] {strides = array<i32>} : memref<128x128xf32, #tpu.memory_space<vmem>>, vector<16xf32>,
      %add3A_121 = arith.addf %mul3A_117, %get3A_120 : vector<16xf32>
      %swap3A_122 = arith.index_cast %scan3A_70 : i32 to index
      %swap3A_123 = arith.constant 48 : index
      %swap3A_124 = tpu.vector_load %arg16[%swap3A_122, %swap3A_123] {strides = array<i32>} : memref<128x128xf32, #tpu.memory_space<vmem>>, vector<16xf32>,
      tpu.vector_store %arg16[%swap3A_122, %swap3A_123], %add3A_121 {strides = array<i32>} : memref<128x128xf32, #tpu.memory_space<vmem>>, vector<16xf32>,
      %get3A_125 = arith.index_cast %scan3A_70 : i32 to index
      %get3A_126 = arith.constant 64 : index
      %get3A_127 = tpu.vector_load %arg16[%get3A_125, %get3A_126] {strides = array<i32>} : memref<128x128xf32, #tpu.memory_space<vmem>>, vector<16xf32>,
      %get3A_128 = arith.index_cast %scan3A_70 : i32 to index
      %get3A_129 = arith.constant 64 : index
      %get3A_130 = tpu.vector_load %arg21[%get3A_128, %get3A_129] {strides = array<i32>} : memref<128x128xf32, #tpu.memory_space<vmem>>, vector<16xf32>,
      %mul3A_131 = arith.mulf %get3A_127, %get3A_130 : vector<16xf32>
      %get3A_132 = arith.index_cast %scan3A_70 : i32 to index
      %get3A_133 = arith.constant 64 : index
      %get3A_134 = tpu.vector_load %arg20[%get3A_132, %get3A_133] {strides = array<i32>} : memref<128x128xf32, #tpu.memory_space<vmem>>, vector<16xf32>,
      %add3A_135 = arith.addf %mul3A_131, %get3A_134 : vector<16xf32>
      %swap3A_136 = arith.index_cast %scan3A_70 : i32 to index
      %swap3A_137 = arith.constant 64 : index
      %swap3A_138 = tpu.vector_load %arg16[%swap3A_136, %swap3A_137] {strides = array<i32>} : memref<128x128xf32, #tpu.memory_space<vmem>>, vector<16xf32>,
      tpu.vector_store %arg16[%swap3A_136, %swap3A_137], %add3A_135 {strides = array<i32>} : memref<128x128xf32, #tpu.memory_space<vmem>>, vector<16xf32>,
      %get3A_139 = arith.index_cast %scan3A_70 : i32 to index
      %get3A_140 = arith.constant 80 : index
      %get3A_141 = tpu.vector_load %arg16[%get3A_139, %get3A_140] {strides = array<i32>} : memref<128x128xf32, #tpu.memory_space<vmem>>, vector<16xf32>,
      %get3A_142 = arith.index_cast %scan3A_70 : i32 to index
      %get3A_143 = arith.constant 80 : index
      %get3A_144 = tpu.vector_load %arg21[%get3A_142, %get3A_143] {strides = array<i32>} : memref<128x128xf32, #tpu.memory_space<vmem>>, vector<16xf32>,
      %mul3A_145 = arith.mulf %get3A_141, %get3A_144 : vector<16xf32>
      %get3A_146 = arith.index_cast %scan3A_70 : i32 to index
      %get3A_147 = arith.constant 80 : index
      %get3A_148 = tpu.vector_load %arg20[%get3A_146, %get3A_147] {strides = array<i32>} : memref<128x128xf32, #tpu.memory_space<vmem>>, vector<16xf32>,
      %add3A_149 = arith.addf %mul3A_145, %get3A_148 : vector<16xf32>
      %swap3A_150 = arith.index_cast %scan3A_70 : i32 to index
      %swap3A_151 = arith.constant 80 : index
      %swap3A_152 = tpu.vector_load %arg16[%swap3A_150, %swap3A_151] {strides = array<i32>} : memref<128x128xf32, #tpu.memory_space<vmem>>, vector<16xf32>,
      tpu.vector_store %arg16[%swap3A_150, %swap3A_151], %add3A_149 {strides = array<i32>} : memref<128x128xf32, #tpu.memory_space<vmem>>, vector<16xf32>,
      %get3A_153 = arith.index_cast %scan3A_70 : i32 to index
      %get3A_154 = arith.constant 96 : index
      %get3A_155 = tpu.vector_load %arg16[%get3A_153, %get3A_154] {strides = array<i32>} : memref<128x128xf32, #tpu.memory_space<vmem>>, vector<16xf32>,
      %get3A_156 = arith.index_cast %scan3A_70 : i32 to index
      %get3A_157 = arith.constant 96 : index
      %get3A_158 = tpu.vector_load %arg21[%get3A_156, %get3A_157] {strides = array<i32>} : memref<128x128xf32, #tpu.memory_space<vmem>>, vector<16xf32>,
      %mul3A_159 = arith.mulf %get3A_155, %get3A_158 : vector<16xf32>
      %get3A_160 = arith.index_cast %scan3A_70 : i32 to index
      %get3A_161 = arith.constant 96 : index
      %get3A_162 = tpu.vector_load %arg20[%get3A_160, %get3A_161] {strides = array<i32>} : memref<128x128xf32, #tpu.memory_space<vmem>>, vector<16xf32>,
      %add3A_163 = arith.addf %mul3A_159, %get3A_162 : vector<16xf32>
      %swap3A_164 = arith.index_cast %scan3A_70 : i32 to index
      %swap3A_165 = arith.constant 96 : index
      %swap3A_166 = tpu.vector_load %arg16[%swap3A_164, %swap3A_165] {strides = array<i32>} : memref<128x128xf32, #tpu.memory_space<vmem>>, vector<16xf32>,
      tpu.vector_store %arg16[%swap3A_164, %swap3A_165], %add3A_163 {strides = array<i32>} : memref<128x128xf32, #tpu.memory_space<vmem>>, vector<16xf32>,
      %get3A_167 = arith.index_cast %scan3A_70 : i32 to index
      %get3A_168 = arith.constant 112 : index
      %get3A_169 = tpu.vector_load %arg16[%get3A_167, %get3A_168] {strides = array<i32>} : memref<128x128xf32, #tpu.memory_space<vmem>>, vector<16xf32>,
      %get3A_170 = arith.index_cast %scan3A_70 : i32 to index
      %get3A_171 = arith.constant 112 : index
      %get3A_172 = tpu.vector_load %arg21[%get3A_170, %get3A_171] {strides = array<i32>} : memref<128x128xf32, #tpu.memory_space<vmem>>, vector<16xf32>,
      %mul3A_173 = arith.mulf %get3A_169, %get3A_172 : vector<16xf32>
      %get3A_174 = arith.index_cast %scan3A_70 : i32 to index
      %get3A_175 = arith.constant 112 : index
      %get3A_176 = tpu.vector_load %arg20[%get3A_174, %get3A_175] {strides = array<i32>} : memref<128x128xf32, #tpu.memory_space<vmem>>, vector<16xf32>,
      %add3A_177 = arith.addf %mul3A_173, %get3A_176 : vector<16xf32>
      %swap3A_178 = arith.index_cast %scan3A_70 : i32 to index
      %swap3A_179 = arith.constant 112 : index
      %swap3A_180 = tpu.vector_load %arg16[%swap3A_178, %swap3A_179] {strides = array<i32>} : memref<128x128xf32, #tpu.memory_space<vmem>>, vector<16xf32>,
      tpu.vector_store %arg16[%swap3A_178, %swap3A_179], %add3A_177 {strides = array<i32>} : memref<128x128xf32, #tpu.memory_space<vmem>>, vector<16xf32>,
    }
    %scan3A_36 = arith.constant 128 : i32
    %dma_start3A_37 = arith.constant 0 : i32
    %dma_start3A_38 = arith.constant 0 : i32
    %dma_start3A_39 = tpu.memref_slice %arg6[%dma_start3A_37, %dma_start3A_38] : memref<100000x128xf32, #tpu.memory_space<hbm>> -> memref<100000x128xf32, #tpu.memory_space<hbm>>
    tpu.enqueue_indirect_dma source(%dma_start3A_39 : memref<100000x128xf32, #tpu.memory_space<hbm>>) target(%arg17 : memref<128x128xf32, #tpu.memory_space<vmem>>) offsets(%arg13 : memref<128xi32, #tpu.memory_space<vmem>>) semaphore(%arg24 : memref<!tpu.dma_semaphore, #tpu.memory_space<semaphore_mem>>)
    %dma_start3A_40 = arith.constant 0 : i32
    %dma_start3A_41 = arith.constant 0 : i32
    %dma_start3A_42 = tpu.memref_slice %arg10[%dma_start3A_40, %dma_start3A_41] : memref<500x128xf32, #tpu.memory_space<hbm>> -> memref<500x128xf32, #tpu.memory_space<hbm>>
    tpu.enqueue_indirect_dma source(%dma_start3A_42 : memref<500x128xf32, #tpu.memory_space<hbm>>) target(%arg21 : memref<128x128xf32, #tpu.memory_space<vmem>>) offsets(%arg14 : memref<128xi32, #tpu.memory_space<vmem>>) semaphore(%arg24 : memref<!tpu.dma_semaphore, #tpu.memory_space<semaphore_mem>>)
    %dma_start3A_43 = arith.constant 0 : i32
    %dma_start3A_44 = arith.constant 0 : i32
    %dma_start3A_45 = tpu.memref_slice %arg11[%dma_start3A_43, %dma_start3A_44] : memref<500x128xf32, #tpu.memory_space<hbm>> -> memref<500x128xf32, #tpu.memory_space<hbm>>
    tpu.enqueue_indirect_dma source(%dma_start3A_45 : memref<500x128xf32, #tpu.memory_space<hbm>>) target(%arg20 : memref<128x128xf32, #tpu.memory_space<vmem>>) offsets(%arg14 : memref<128xi32, #tpu.memory_space<vmem>>) semaphore(%arg24 : memref<!tpu.dma_semaphore, #tpu.memory_space<semaphore_mem>>)
    %dma_wait3A_46 = arith.constant 0 : i32
    %dma_wait3A_47 = arith.constant 0 : i32
    %dma_wait3A_48 = tpu.memref_slice %arg6[%dma_wait3A_46, %dma_wait3A_47] : memref<100000x128xf32, #tpu.memory_space<hbm>> -> memref<100000x128xf32, #tpu.memory_space<hbm>>
    tpu.wait_indirect_dma semaphore(%arg24 : memref<!tpu.dma_semaphore, #tpu.memory_space<semaphore_mem>>) src(%dma_wait3A_48 : memref<100000x128xf32, #tpu.memory_space<hbm>>) dst(%arg17 : memref<128x128xf32, #tpu.memory_space<vmem>>)
    %dma_wait3A_49 = arith.constant 0 : i32
    %dma_wait3A_50 = arith.constant 0 : i32
    %dma_wait3A_51 = tpu.memref_slice %arg10[%dma_wait3A_49, %dma_wait3A_50] : memref<500x128xf32, #tpu.memory_space<hbm>> -> memref<500x128xf32, #tpu.memory_space<hbm>>
    tpu.wait_indirect_dma semaphore(%arg24 : memref<!tpu.dma_semaphore, #tpu.memory_space<semaphore_mem>>) src(%dma_wait3A_51 : memref<500x128xf32, #tpu.memory_space<hbm>>) dst(%arg21 : memref<128x128xf32, #tpu.memory_space<vmem>>)
    %dma_wait3A_52 = arith.constant 0 : i32
    %dma_wait3A_53 = arith.constant 0 : i32
    %dma_wait3A_54 = tpu.memref_slice %arg11[%dma_wait3A_52, %dma_wait3A_53] : memref<500x128xf32, #tpu.memory_space<hbm>> -> memref<500x128xf32, #tpu.memory_space<hbm>>
    tpu.wait_indirect_dma semaphore(%arg24 : memref<!tpu.dma_semaphore, #tpu.memory_space<semaphore_mem>>) src(%dma_wait3A_54 : memref<500x128xf32, #tpu.memory_space<hbm>>) dst(%arg20 : memref<128x128xf32, #tpu.memory_space<vmem>>)
    %scan3A_55 = arith.constant 0 : i32
    %scan3A_56 = arith.constant 128 : i32
    %scan3A_57 = arith.addi %scan3A_55, %scan3A_56 : i32
    %scan3A_58 = arith.constant 1 : i32
    scf.for %scan3A_70 = %scan3A_55 to %scan3A_57 step %scan3A_58  : i32 {
      %get3A = arith.index_cast %scan3A_70 : i32 to index
      %get3A_71 = arith.constant 0 : index
      %get3A_72 = tpu.vector_load %arg17[%get3A, %get3A_71] {strides = array<i32>} : memref<128x128xf32, #tpu.memory_space<vmem>>, vector<16xf32>,
      %get3A_73 = arith.index_cast %scan3A_70 : i32 to index
      %get3A_74 = arith.constant 0 : index
      %get3A_75 = tpu.vector_load %arg21[%get3A_73, %get3A_74] {strides = array<i32>} : memref<128x128xf32, #tpu.memory_space<vmem>>, vector<16xf32>,
      %abs3A = math.absf %get3A_75 : vector<16xf32>
      %mul3A_76 = arith.mulf %get3A_72, %abs3A : vector<16xf32>
      %get3A_77 = arith.index_cast %scan3A_70 : i32 to index
      %get3A_78 = arith.constant 0 : index
      %get3A_79 = tpu.vector_load %arg20[%get3A_77, %get3A_78] {strides = array<i32>} : memref<128x128xf32, #tpu.memory_space<vmem>>, vector<16xf32>,
      %abs3A_80 = math.absf %get3A_79 : vector<16xf32>
      %add3A_81 = arith.addf %mul3A_76, %abs3A_80 : vector<16xf32>
      %swap3A = arith.index_cast %scan3A_70 : i32 to index
      %swap3A_82 = arith.constant 0 : index
      %swap3A_83 = tpu.vector_load %arg17[%swap3A, %swap3A_82] {strides = array<i32>} : memref<128x128xf32, #tpu.memory_space<vmem>>, vector<16xf32>,
      tpu.vector_store %arg17[%swap3A, %swap3A_82], %add3A_81 {strides = array<i32>} : memref<128x128xf32, #tpu.memory_space<vmem>>, vector<16xf32>,
      %get3A_84 = arith.index_cast %scan3A_70 : i32 to index
      %get3A_85 = arith.constant 16 : index
      %get3A_86 = tpu.vector_load %arg17[%get3A_84, %get3A_85] {strides = array<i32>} : memref<128x128xf32, #tpu.memory_space<vmem>>, vector<16xf32>,
      %get3A_87 = arith.index_cast %scan3A_70 : i32 to index
      %get3A_88 = arith.constant 16 : index
      %get3A_89 = tpu.vector_load %arg21[%get3A_87, %get3A_88] {strides = array<i32>} : memref<128x128xf32, #tpu.memory_space<vmem>>, vector<16xf32>,
      %abs3A_90 = math.absf %get3A_89 : vector<16xf32>
      %mul3A_91 = arith.mulf %get3A_86, %abs3A_90 : vector<16xf32>
      %get3A_92 = arith.index_cast %scan3A_70 : i32 to index
      %get3A_93 = arith.constant 16 : index
      %get3A_94 = tpu.vector_load %arg20[%get3A_92, %get3A_93] {strides = array<i32>} : memref<128x128xf32, #tpu.memory_space<vmem>>, vector<16xf32>,
      %abs3A_95 = math.absf %get3A_94 : vector<16xf32>
      %add3A_96 = arith.addf %mul3A_91, %abs3A_95 : vector<16xf32>
      %swap3A_97 = arith.index_cast %scan3A_70 : i32 to index
      %swap3A_98 = arith.constant 16 : index
      %swap3A_99 = tpu.vector_load %arg17[%swap3A_97, %swap3A_98] {strides = array<i32>} : memref<128x128xf32, #tpu.memory_space<vmem>>, vector<16xf32>,
      tpu.vector_store %arg17[%swap3A_97, %swap3A_98], %add3A_96 {strides = array<i32>} : memref<128x128xf32, #tpu.memory_space<vmem>>, vector<16xf32>,
      %get3A_100 = arith.index_cast %scan3A_70 : i32 to index
      %get3A_101 = arith.constant 32 : index
      %get3A_102 = tpu.vector_load %arg17[%get3A_100, %get3A_101] {strides = array<i32>} : memref<128x128xf32, #tpu.memory_space<vmem>>, vector<16xf32>,
      %get3A_103 = arith.index_cast %scan3A_70 : i32 to index
      %get3A_104 = arith.constant 32 : index
      %get3A_105 = tpu.vector_load %arg21[%get3A_103, %get3A_104] {strides = array<i32>} : memref<128x128xf32, #tpu.memory_space<vmem>>, vector<16xf32>,
      %abs3A_106 = math.absf %get3A_105 : vector<16xf32>
      %mul3A_107 = arith.mulf %get3A_102, %abs3A_106 : vector<16xf32>
      %get3A_108 = arith.index_cast %scan3A_70 : i32 to index
      %get3A_109 = arith.constant 32 : index
      %get3A_110 = tpu.vector_load %arg20[%get3A_108, %get3A_109] {strides = array<i32>} : memref<128x128xf32, #tpu.memory_space<vmem>>, vector<16xf32>,
      %abs3A_111 = math.absf %get3A_110 : vector<16xf32>
      %add3A_112 = arith.addf %mul3A_107, %abs3A_111 : vector<16xf32>
      %swap3A_113 = arith.index_cast %scan3A_70 : i32 to index
      %swap3A_114 = arith.constant 32 : index
      %swap3A_115 = tpu.vector_load %arg17[%swap3A_113, %swap3A_114] {strides = array<i32>} : memref<128x128xf32, #tpu.memory_space<vmem>>, vector<16xf32>,
      tpu.vector_store %arg17[%swap3A_113, %swap3A_114], %add3A_112 {strides = array<i32>} : memref<128x128xf32, #tpu.memory_space<vmem>>, vector<16xf32>,
      %get3A_116 = arith.index_cast %scan3A_70 : i32 to index
      %get3A_117 = arith.constant 48 : index
      %get3A_118 = tpu.vector_load %arg17[%get3A_116, %get3A_117] {strides = array<i32>} : memref<128x128xf32, #tpu.memory_space<vmem>>, vector<16xf32>,
      %get3A_119 = arith.index_cast %scan3A_70 : i32 to index
      %get3A_120 = arith.constant 48 : index
      %get3A_121 = tpu.vector_load %arg21[%get3A_119, %get3A_120] {strides = array<i32>} : memref<128x128xf32, #tpu.memory_space<vmem>>, vector<16xf32>,
      %abs3A_122 = math.absf %get3A_121 : vector<16xf32>
      %mul3A_123 = arith.mulf %get3A_118, %abs3A_122 : vector<16xf32>
      %get3A_124 = arith.index_cast %scan3A_70 : i32 to index
      %get3A_125 = arith.constant 48 : index
      %get3A_126 = tpu.vector_load %arg20[%get3A_124, %get3A_125] {strides = array<i32>} : memref<128x128xf32, #tpu.memory_space<vmem>>, vector<16xf32>,
      %abs3A_127 = math.absf %get3A_126 : vector<16xf32>
      %add3A_128 = arith.addf %mul3A_123, %abs3A_127 : vector<16xf32>
      %swap3A_129 = arith.index_cast %scan3A_70 : i32 to index
      %swap3A_130 = arith.constant 48 : index
      %swap3A_131 = tpu.vector_load %arg17[%swap3A_129, %swap3A_130] {strides = array<i32>} : memref<128x128xf32, #tpu.memory_space<vmem>>, vector<16xf32>,
      tpu.vector_store %arg17[%swap3A_129, %swap3A_130], %add3A_128 {strides = array<i32>} : memref<128x128xf32, #tpu.memory_space<vmem>>, vector<16xf32>,
      %get3A_132 = arith.index_cast %scan3A_70 : i32 to index
      %get3A_133 = arith.constant 64 : index
      %get3A_134 = tpu.vector_load %arg17[%get3A_132, %get3A_133] {strides = array<i32>} : memref<128x128xf32, #tpu.memory_space<vmem>>, vector<16xf32>,
      %get3A_135 = arith.index_cast %scan3A_70 : i32 to index
      %get3A_136 = arith.constant 64 : index
      %get3A_137 = tpu.vector_load %arg21[%get3A_135, %get3A_136] {strides = array<i32>} : memref<128x128xf32, #tpu.memory_space<vmem>>, vector<16xf32>,
      %abs3A_138 = math.absf %get3A_137 : vector<16xf32>
      %mul3A_139 = arith.mulf %get3A_134, %abs3A_138 : vector<16xf32>
      %get3A_140 = arith.index_cast %scan3A_70 : i32 to index
      %get3A_141 = arith.constant 64 : index
      %get3A_142 = tpu.vector_load %arg20[%get3A_140, %get3A_141] {strides = array<i32>} : memref<128x128xf32, #tpu.memory_space<vmem>>, vector<16xf32>,
      %abs3A_143 = math.absf %get3A_142 : vector<16xf32>
      %add3A_144 = arith.addf %mul3A_139, %abs3A_143 : vector<16xf32>
      %swap3A_145 = arith.index_cast %scan3A_70 : i32 to index
      %swap3A_146 = arith.constant 64 : index
      %swap3A_147 = tpu.vector_load %arg17[%swap3A_145, %swap3A_146] {strides = array<i32>} : memref<128x128xf32, #tpu.memory_space<vmem>>, vector<16xf32>,
      tpu.vector_store %arg17[%swap3A_145, %swap3A_146], %add3A_144 {strides = array<i32>} : memref<128x128xf32, #tpu.memory_space<vmem>>, vector<16xf32>,
      %get3A_148 = arith.index_cast %scan3A_70 : i32 to index
      %get3A_149 = arith.constant 80 : index
      %get3A_150 = tpu.vector_load %arg17[%get3A_148, %get3A_149] {strides = array<i32>} : memref<128x128xf32, #tpu.memory_space<vmem>>, vector<16xf32>,
      %get3A_151 = arith.index_cast %scan3A_70 : i32 to index
      %get3A_152 = arith.constant 80 : index
      %get3A_153 = tpu.vector_load %arg21[%get3A_151, %get3A_152] {strides = array<i32>} : memref<128x128xf32, #tpu.memory_space<vmem>>, vector<16xf32>,
      %abs3A_154 = math.absf %get3A_153 : vector<16xf32>
      %mul3A_155 = arith.mulf %get3A_150, %abs3A_154 : vector<16xf32>
      %get3A_156 = arith.index_cast %scan3A_70 : i32 to index
      %get3A_157 = arith.constant 80 : index
      %get3A_158 = tpu.vector_load %arg20[%get3A_156, %get3A_157] {strides = array<i32>} : memref<128x128xf32, #tpu.memory_space<vmem>>, vector<16xf32>,
      %abs3A_159 = math.absf %get3A_158 : vector<16xf32>
      %add3A_160 = arith.addf %mul3A_155, %abs3A_159 : vector<16xf32>
      %swap3A_161 = arith.index_cast %scan3A_70 : i32 to index
      %swap3A_162 = arith.constant 80 : index
      %swap3A_163 = tpu.vector_load %arg17[%swap3A_161, %swap3A_162] {strides = array<i32>} : memref<128x128xf32, #tpu.memory_space<vmem>>, vector<16xf32>,
      tpu.vector_store %arg17[%swap3A_161, %swap3A_162], %add3A_160 {strides = array<i32>} : memref<128x128xf32, #tpu.memory_space<vmem>>, vector<16xf32>,
      %get3A_164 = arith.index_cast %scan3A_70 : i32 to index
      %get3A_165 = arith.constant 96 : index
      %get3A_166 = tpu.vector_load %arg17[%get3A_164, %get3A_165] {strides = array<i32>} : memref<128x128xf32, #tpu.memory_space<vmem>>, vector<16xf32>,
      %get3A_167 = arith.index_cast %scan3A_70 : i32 to index
      %get3A_168 = arith.constant 96 : index
      %get3A_169 = tpu.vector_load %arg21[%get3A_167, %get3A_168] {strides = array<i32>} : memref<128x128xf32, #tpu.memory_space<vmem>>, vector<16xf32>,
      %abs3A_170 = math.absf %get3A_169 : vector<16xf32>
      %mul3A_171 = arith.mulf %get3A_166, %abs3A_170 : vector<16xf32>
      %get3A_172 = arith.index_cast %scan3A_70 : i32 to index
      %get3A_173 = arith.constant 96 : index
      %get3A_174 = tpu.vector_load %arg20[%get3A_172, %get3A_173] {strides = array<i32>} : memref<128x128xf32, #tpu.memory_space<vmem>>, vector<16xf32>,
      %abs3A_175 = math.absf %get3A_174 : vector<16xf32>
      %add3A_176 = arith.addf %mul3A_171, %abs3A_175 : vector<16xf32>
      %swap3A_177 = arith.index_cast %scan3A_70 : i32 to index
      %swap3A_178 = arith.constant 96 : index
      %swap3A_179 = tpu.vector_load %arg17[%swap3A_177, %swap3A_178] {strides = array<i32>} : memref<128x128xf32, #tpu.memory_space<vmem>>, vector<16xf32>,
      tpu.vector_store %arg17[%swap3A_177, %swap3A_178], %add3A_176 {strides = array<i32>} : memref<128x128xf32, #tpu.memory_space<vmem>>, vector<16xf32>,
      %get3A_180 = arith.index_cast %scan3A_70 : i32 to index
      %get3A_181 = arith.constant 112 : index
      %get3A_182 = tpu.vector_load %arg17[%get3A_180, %get3A_181] {strides = array<i32>} : memref<128x128xf32, #tpu.memory_space<vmem>>, vector<16xf32>,
      %get3A_183 = arith.index_cast %scan3A_70 : i32 to index
      %get3A_184 = arith.constant 112 : index
      %get3A_185 = tpu.vector_load %arg21[%get3A_183, %get3A_184] {strides = array<i32>} : memref<128x128xf32, #tpu.memory_space<vmem>>, vector<16xf32>,
      %abs3A_186 = math.absf %get3A_185 : vector<16xf32>
      %mul3A_187 = arith.mulf %get3A_182, %abs3A_186 : vector<16xf32>
      %get3A_188 = arith.index_cast %scan3A_70 : i32 to index
      %get3A_189 = arith.constant 112 : index
      %get3A_190 = tpu.vector_load %arg20[%get3A_188, %get3A_189] {strides = array<i32>} : memref<128x128xf32, #tpu.memory_space<vmem>>, vector<16xf32>,
      %abs3A_191 = math.absf %get3A_190 : vector<16xf32>
      %add3A_192 = arith.addf %mul3A_187, %abs3A_191 : vector<16xf32>
      %swap3A_193 = arith.index_cast %scan3A_70 : i32 to index
      %swap3A_194 = arith.constant 112 : index
      %swap3A_195 = tpu.vector_load %arg17[%swap3A_193, %swap3A_194] {strides = array<i32>} : memref<128x128xf32, #tpu.memory_space<vmem>>, vector<16xf32>,
      tpu.vector_store %arg17[%swap3A_193, %swap3A_194], %add3A_192 {strides = array<i32>} : memref<128x128xf32, #tpu.memory_space<vmem>>, vector<16xf32>,
    }
    %scan3A_59 = arith.constant 128 : i32
    %iota3A = tpu.iota {dimensions = array<i32: 0>} : vector<16xi32>
    %eq3A = arith.constant 15 : i32
    %eq3A_60 = vector.broadcast %eq3A : i32 to vector<16xi32>
    %eq3A_61 = arith.cmpi eq, %iota3A, %eq3A_60 : vector<16xi32>
    %broadcast_in_dim3A = arith.constant 0.000000e+00 : bf16
    %broadcast_in_dim3A_62 = vector.broadcast %broadcast_in_dim3A : bf16 to vector<32xbf16>
    %broadcast_in_dim3A_63 = arith.constant 2.038570e-02 : bf16
    %broadcast_in_dim3A_64 = vector.broadcast %broadcast_in_dim3A_63 : bf16 to vector<32xbf16>
    %scan3A_65 = arith.constant 0 : i32
    %scan3A_66 = arith.constant 64 : i32
    %scan3A_67 = arith.addi %scan3A_65, %scan3A_66 : i32
    %scan3A_68 = arith.constant 1 : i32
    scf.for %scan3A_70 = %scan3A_65 to %scan3A_67 step %scan3A_68  : i32 {
      %mul3A_71 = arith.constant 2 : i32
      %mul3A_72 = arith.muli %mul3A_71, %scan3A_70 : i32
      %dma_wait3A_73 = arith.constant 0 : i32
      %dma_wait3A_74 = tpu.memref_slice %arg15[%mul3A_72, %dma_wait3A_73] : memref<128x128xi32, #tpu.memory_space<vmem>> -> memref<1x128xi32, #tpu.memory_space<vmem>>
      %dma_wait3A_75 = tpu.memref_squeeze %dma_wait3A_74 : memref<1x128xi32, #tpu.memory_space<vmem>> -> memref<128xi32, #tpu.memory_space<vmem>>
      %dma_wait3A_76 = arith.constant 0 : i32
      %dma_wait3A_77 = arith.constant 0 : i32
      %dma_wait3A_78 = tpu.memref_slice %arg7[%dma_wait3A_76, %dma_wait3A_77] : memref<100000x128xf32, #tpu.memory_space<hbm>> -> memref<100000x128xf32, #tpu.memory_space<hbm>>
      tpu.wait_indirect_dma semaphore(%arg22 : memref<!tpu.dma_semaphore, #tpu.memory_space<semaphore_mem>>) src(%dma_wait3A_78 : memref<100000x128xf32, #tpu.memory_space<hbm>>) dst(%arg18 : memref<128x128xf32, #tpu.memory_space<vmem>>)
      %get3A = arith.index_cast %mul3A_72 : i32 to index
      %get3A_79 = arith.constant 0 : index
      %get3A_80 = tpu.vector_load %arg16[%get3A, %get3A_79] {strides = array<i32>} : memref<128x128xf32, #tpu.memory_space<vmem>>, vector<16xf32>,
      %get3A_81 = arith.index_cast %mul3A_72 : i32 to index
      %get3A_82 = arith.constant 16 : index
      %get3A_83 = tpu.vector_load %arg16[%get3A_81, %get3A_82] {strides = array<i32>} : memref<128x128xf32, #tpu.memory_space<vmem>>, vector<16xf32>,
      %pack3A = tpu.pack_subelements %get3A_80, %get3A_83 {pack_format = #tpu.pack_format<interleaved>, positions = array<i32: 0, 1>} : vector<16xf32>, vector<16xf32> -> vector<32xbf16>
      %get3A_84 = arith.index_cast %mul3A_72 : i32 to index
      %get3A_85 = arith.constant 32 : index
      %get3A_86 = tpu.vector_load %arg16[%get3A_84, %get3A_85] {strides = array<i32>} : memref<128x128xf32, #tpu.memory_space<vmem>>, vector<16xf32>,
      %get3A_87 = arith.index_cast %mul3A_72 : i32 to index
      %get3A_88 = arith.constant 48 : index
      %get3A_89 = tpu.vector_load %arg16[%get3A_87, %get3A_88] {strides = array<i32>} : memref<128x128xf32, #tpu.memory_space<vmem>>, vector<16xf32>,
      %pack3A_90 = tpu.pack_subelements %get3A_86, %get3A_89 {pack_format = #tpu.pack_format<interleaved>, positions = array<i32: 0, 1>} : vector<16xf32>, vector<16xf32> -> vector<32xbf16>
      %get3A_91 = arith.index_cast %mul3A_72 : i32 to index
      %get3A_92 = arith.constant 64 : index
      %get3A_93 = tpu.vector_load %arg16[%get3A_91, %get3A_92] {strides = array<i32>} : memref<128x128xf32, #tpu.memory_space<vmem>>, vector<16xf32>,
      %get3A_94 = arith.index_cast %mul3A_72 : i32 to index
      %get3A_95 = arith.constant 80 : index
      %get3A_96 = tpu.vector_load %arg16[%get3A_94, %get3A_95] {strides = array<i32>} : memref<128x128xf32, #tpu.memory_space<vmem>>, vector<16xf32>,
      %pack3A_97 = tpu.pack_subelements %get3A_93, %get3A_96 {pack_format = #tpu.pack_format<interleaved>, positions = array<i32: 0, 1>} : vector<16xf32>, vector<16xf32> -> vector<32xbf16>
      %get3A_98 = arith.index_cast %mul3A_72 : i32 to index
      %get3A_99 = arith.constant 96 : index
      %get3A_100 = tpu.vector_load %arg16[%get3A_98, %get3A_99] {strides = array<i32>} : memref<128x128xf32, #tpu.memory_space<vmem>>, vector<16xf32>,
      %get3A_101 = arith.index_cast %mul3A_72 : i32 to index
      %get3A_102 = arith.constant 112 : index
      %get3A_103 = tpu.vector_load %arg16[%get3A_101, %get3A_102] {strides = array<i32>} : memref<128x128xf32, #tpu.memory_space<vmem>>, vector<16xf32>,
      %pack3A_104 = tpu.pack_subelements %get3A_100, %get3A_103 {pack_format = #tpu.pack_format<interleaved>, positions = array<i32: 0, 1>} : vector<16xf32>, vector<16xf32> -> vector<32xbf16>
      %get3A_105 = arith.index_cast %mul3A_72 : i32 to index
      %get3A_106 = arith.constant 0 : index
      %get3A_107 = tpu.vector_load %arg17[%get3A_105, %get3A_106] {strides = array<i32>} : memref<128x128xf32, #tpu.memory_space<vmem>>, vector<16xf32>,
      %get3A_108 = arith.index_cast %mul3A_72 : i32 to index
      %get3A_109 = arith.constant 16 : index
      %get3A_110 = tpu.vector_load %arg17[%get3A_108, %get3A_109] {strides = array<i32>} : memref<128x128xf32, #tpu.memory_space<vmem>>, vector<16xf32>,
      %pack3A_111 = tpu.pack_subelements %get3A_107, %get3A_110 {pack_format = #tpu.pack_format<interleaved>, positions = array<i32: 0, 1>} : vector<16xf32>, vector<16xf32> -> vector<32xbf16>
      %get3A_112 = arith.index_cast %mul3A_72 : i32 to index
      %get3A_113 = arith.constant 32 : index
      %get3A_114 = tpu.vector_load %arg17[%get3A_112, %get3A_113] {strides = array<i32>} : memref<128x128xf32, #tpu.memory_space<vmem>>, vector<16xf32>,
      %get3A_115 = arith.index_cast %mul3A_72 : i32 to index
      %get3A_116 = arith.constant 48 : index
      %get3A_117 = tpu.vector_load %arg17[%get3A_115, %get3A_116] {strides = array<i32>} : memref<128x128xf32, #tpu.memory_space<vmem>>, vector<16xf32>,
      %pack3A_118 = tpu.pack_subelements %get3A_114, %get3A_117 {pack_format = #tpu.pack_format<interleaved>, positions = array<i32: 0, 1>} : vector<16xf32>, vector<16xf32> -> vector<32xbf16>
      %get3A_119 = arith.index_cast %mul3A_72 : i32 to index
      %get3A_120 = arith.constant 64 : index
      %get3A_121 = tpu.vector_load %arg17[%get3A_119, %get3A_120] {strides = array<i32>} : memref<128x128xf32, #tpu.memory_space<vmem>>, vector<16xf32>,
      %get3A_122 = arith.index_cast %mul3A_72 : i32 to index
      %get3A_123 = arith.constant 80 : index
      %get3A_124 = tpu.vector_load %arg17[%get3A_122, %get3A_123] {strides = array<i32>} : memref<128x128xf32, #tpu.memory_space<vmem>>, vector<16xf32>,
      %pack3A_125 = tpu.pack_subelements %get3A_121, %get3A_124 {pack_format = #tpu.pack_format<interleaved>, positions = array<i32: 0, 1>} : vector<16xf32>, vector<16xf32> -> vector<32xbf16>
      %get3A_126 = arith.index_cast %mul3A_72 : i32 to index
      %get3A_127 = arith.constant 96 : index
      %get3A_128 = tpu.vector_load %arg17[%get3A_126, %get3A_127] {strides = array<i32>} : memref<128x128xf32, #tpu.memory_space<vmem>>, vector<16xf32>,
      %get3A_129 = arith.index_cast %mul3A_72 : i32 to index
      %get3A_130 = arith.constant 112 : index
      %get3A_131 = tpu.vector_load %arg17[%get3A_129, %get3A_130] {strides = array<i32>} : memref<128x128xf32, #tpu.memory_space<vmem>>, vector<16xf32>,
      %pack3A_132 = tpu.pack_subelements %get3A_128, %get3A_131 {pack_format = #tpu.pack_format<interleaved>, positions = array<i32: 0, 1>} : vector<16xf32>, vector<16xf32> -> vector<32xbf16>
      %broadcast_in_dim3A_133 = vector.broadcast %mul3A_72 : i32 to vector<16xi32>
      %parallel_loop3A = arith.constant 0 : i32
      %parallel_loop3A_134 = arith.constant 128 : i32
      %parallel_loop3A_135 = arith.constant 1 : i32
      scf.for %parallel_loop3A_213 = %parallel_loop3A to %parallel_loop3A_134 step %parallel_loop3A_135  : i32 {
        %parallel_loop3A_214 = arith.index_cast %parallel_loop3A_213 : i32 to index
        %parallel_loop3A_215 = arith.constant 0 : index
        %parallel_loop3A_216 = tpu.vector_load %arg18[%parallel_loop3A_214, %parallel_loop3A_215] {strides = array<i32>} : memref<128x128xf32, #tpu.memory_space<vmem>>, vector<16xf32>,
        %parallel_loop3A_217 = arith.index_cast %parallel_loop3A_213 : i32 to index
        %parallel_loop3A_218 = arith.constant 16 : index
        %parallel_loop3A_219 = tpu.vector_load %arg18[%parallel_loop3A_217, %parallel_loop3A_218] {strides = array<i32>} : memref<128x128xf32, #tpu.memory_space<vmem>>, vector<16xf32>,
        %parallel_loop3A_220 = tpu.pack_subelements %parallel_loop3A_216, %parallel_loop3A_219 {pack_format = #tpu.pack_format<interleaved>, positions = array<i32: 0, 1>} : vector<16xf32>, vector<16xf32> -> vector<32xbf16>
        %parallel_loop3A_221 = arith.subf %parallel_loop3A_220, %pack3A : vector<32xbf16>
        %parallel_loop3A_222 = vector.bitcast %parallel_loop3A_221 : vector<32xbf16> to vector<16xi32>
        %parallel_loop3A_223 = arith.constant 2147450879 : i32
        %parallel_loop3A_224 = vector.broadcast %parallel_loop3A_223 : i32 to vector<16xi32>
        %parallel_loop3A_225 = arith.andi %parallel_loop3A_222, %parallel_loop3A_224 : vector<16xi32>
        %parallel_loop3A_226 = vector.bitcast %parallel_loop3A_225 : vector<16xi32> to vector<32xbf16>
        %parallel_loop3A_227 = arith.subf %parallel_loop3A_226, %pack3A_111 : vector<32xbf16>
        %parallel_loop3A_228 = arith.maximumf %parallel_loop3A_227, %broadcast_in_dim3A_62 : vector<32xbf16>
        %parallel_loop3A_229 = arith.addf %broadcast_in_dim3A_62, %parallel_loop3A_228 : vector<32xbf16>
        %parallel_loop3A_230 = arith.addf %broadcast_in_dim3A_62, %parallel_loop3A_226 : vector<32xbf16>
        %parallel_loop3A_231 = arith.index_cast %parallel_loop3A_213 : i32 to index
        %parallel_loop3A_232 = arith.constant 32 : index
        %parallel_loop3A_233 = tpu.vector_load %arg18[%parallel_loop3A_231, %parallel_loop3A_232] {strides = array<i32>} : memref<128x128xf32, #tpu.memory_space<vmem>>, vector<16xf32>,
        %parallel_loop3A_234 = arith.index_cast %parallel_loop3A_213 : i32 to index
        %parallel_loop3A_235 = arith.constant 48 : index
        %parallel_loop3A_236 = tpu.vector_load %arg18[%parallel_loop3A_234, %parallel_loop3A_235] {strides = array<i32>} : memref<128x128xf32, #tpu.memory_space<vmem>>, vector<16xf32>,
        %parallel_loop3A_237 = tpu.pack_subelements %parallel_loop3A_233, %parallel_loop3A_236 {pack_format = #tpu.pack_format<interleaved>, positions = array<i32: 0, 1>} : vector<16xf32>, vector<16xf32> -> vector<32xbf16>
        %parallel_loop3A_238 = arith.subf %parallel_loop3A_237, %pack3A_90 : vector<32xbf16>
        %parallel_loop3A_239 = vector.bitcast %parallel_loop3A_238 : vector<32xbf16> to vector<16xi32>
        %parallel_loop3A_240 = arith.constant 2147450879 : i32
        %parallel_loop3A_241 = vector.broadcast %parallel_loop3A_240 : i32 to vector<16xi32>
        %parallel_loop3A_242 = arith.andi %parallel_loop3A_239, %parallel_loop3A_241 : vector<16xi32>
        %parallel_loop3A_243 = vector.bitcast %parallel_loop3A_242 : vector<16xi32> to vector<32xbf16>
        %parallel_loop3A_244 = arith.subf %parallel_loop3A_243, %pack3A_118 : vector<32xbf16>
        %parallel_loop3A_245 = arith.maximumf %parallel_loop3A_244, %broadcast_in_dim3A_62 : vector<32xbf16>
        %parallel_loop3A_246 = arith.addf %parallel_loop3A_229, %parallel_loop3A_245 : vector<32xbf16>
        %parallel_loop3A_247 = arith.addf %parallel_loop3A_230, %parallel_loop3A_243 : vector<32xbf16>
        %parallel_loop3A_248 = arith.index_cast %parallel_loop3A_213 : i32 to index
        %parallel_loop3A_249 = arith.constant 64 : index
        %parallel_loop3A_250 = tpu.vector_load %arg18[%parallel_loop3A_248, %parallel_loop3A_249] {strides = array<i32>} : memref<128x128xf32, #tpu.memory_space<vmem>>, vector<16xf32>,
        %parallel_loop3A_251 = arith.index_cast %parallel_loop3A_213 : i32 to index
        %parallel_loop3A_252 = arith.constant 80 : index
        %parallel_loop3A_253 = tpu.vector_load %arg18[%parallel_loop3A_251, %parallel_loop3A_252] {strides = array<i32>} : memref<128x128xf32, #tpu.memory_space<vmem>>, vector<16xf32>,
        %parallel_loop3A_254 = tpu.pack_subelements %parallel_loop3A_250, %parallel_loop3A_253 {pack_format = #tpu.pack_format<interleaved>, positions = array<i32: 0, 1>} : vector<16xf32>, vector<16xf32> -> vector<32xbf16>
        %parallel_loop3A_255 = arith.subf %parallel_loop3A_254, %pack3A_97 : vector<32xbf16>
        %parallel_loop3A_256 = vector.bitcast %parallel_loop3A_255 : vector<32xbf16> to vector<16xi32>
        %parallel_loop3A_257 = arith.constant 2147450879 : i32
        %parallel_loop3A_258 = vector.broadcast %parallel_loop3A_257 : i32 to vector<16xi32>
        %parallel_loop3A_259 = arith.andi %parallel_loop3A_256, %parallel_loop3A_258 : vector<16xi32>
        %parallel_loop3A_260 = vector.bitcast %parallel_loop3A_259 : vector<16xi32> to vector<32xbf16>
        %parallel_loop3A_261 = arith.subf %parallel_loop3A_260, %pack3A_125 : vector<32xbf16>
        %parallel_loop3A_262 = arith.maximumf %parallel_loop3A_261, %broadcast_in_dim3A_62 : vector<32xbf16>
        %parallel_loop3A_263 = arith.addf %parallel_loop3A_246, %parallel_loop3A_262 : vector<32xbf16>
        %parallel_loop3A_264 = arith.addf %parallel_loop3A_247, %parallel_loop3A_260 : vector<32xbf16>
        %parallel_loop3A_265 = arith.index_cast %parallel_loop3A_213 : i32 to index
        %parallel_loop3A_266 = arith.constant 96 : index
        %parallel_loop3A_267 = tpu.vector_load %arg18[%parallel_loop3A_265, %parallel_loop3A_266] {strides = array<i32>} : memref<128x128xf32, #tpu.memory_space<vmem>>, vector<16xf32>,
        %parallel_loop3A_268 = arith.index_cast %parallel_loop3A_213 : i32 to index
        %parallel_loop3A_269 = arith.constant 112 : index
        %parallel_loop3A_270 = tpu.vector_load %arg18[%parallel_loop3A_268, %parallel_loop3A_269] {strides = array<i32>} : memref<128x128xf32, #tpu.memory_space<vmem>>, vector<16xf32>,
        %parallel_loop3A_271 = tpu.pack_subelements %parallel_loop3A_267, %parallel_loop3A_270 {pack_format = #tpu.pack_format<interleaved>, positions = array<i32: 0, 1>} : vector<16xf32>, vector<16xf32> -> vector<32xbf16>
        %parallel_loop3A_272 = arith.subf %parallel_loop3A_271, %pack3A_104 : vector<32xbf16>
        %parallel_loop3A_273 = vector.bitcast %parallel_loop3A_272 : vector<32xbf16> to vector<16xi32>
        %parallel_loop3A_274 = arith.constant 2147450879 : i32
        %parallel_loop3A_275 = vector.broadcast %parallel_loop3A_274 : i32 to vector<16xi32>
        %parallel_loop3A_276 = arith.andi %parallel_loop3A_273, %parallel_loop3A_275 : vector<16xi32>
        %parallel_loop3A_277 = vector.bitcast %parallel_loop3A_276 : vector<16xi32> to vector<32xbf16>
        %parallel_loop3A_278 = arith.subf %parallel_loop3A_277, %pack3A_132 : vector<32xbf16>
        %parallel_loop3A_279 = arith.maximumf %parallel_loop3A_278, %broadcast_in_dim3A_62 : vector<32xbf16>
        %parallel_loop3A_280 = arith.addf %parallel_loop3A_263, %parallel_loop3A_279 : vector<32xbf16>
        %parallel_loop3A_281 = arith.addf %parallel_loop3A_264, %parallel_loop3A_277 : vector<32xbf16>
        %parallel_loop3A_282 = arith.mulf %broadcast_in_dim3A_64, %parallel_loop3A_281 : vector<32xbf16>
        %parallel_loop3A_283 = arith.addf %parallel_loop3A_280, %parallel_loop3A_282 : vector<32xbf16>
        %parallel_loop3A_284 = tpu.unpack_subelements %parallel_loop3A_283, 0 {pack_format = #tpu.pack_format<interleaved>} : vector<32xbf16> -> vector<16xf32>
        %parallel_loop3A_285 = tpu.unpack_subelements %parallel_loop3A_283, 1 {pack_format = #tpu.pack_format<interleaved>} : vector<32xbf16> -> vector<16xf32>
        %parallel_loop3A_286 = arith.addf %parallel_loop3A_284, %parallel_loop3A_285 : vector<16xf32>
        %parallel_loop3A_287 = arith.constant 9.800000e-01 : f32
        %parallel_loop3A_288 = vector.broadcast %parallel_loop3A_287 : f32 to vector<16xf32>
        %parallel_loop3A_289 = arith.mulf %parallel_loop3A_288, %parallel_loop3A_286 : vector<16xf32>
        %parallel_loop3A_290 = arith.constant 1.500000e+00 : f32
        %parallel_loop3A_291 = vector.broadcast %parallel_loop3A_290 : f32 to vector<16xf32>
        %parallel_loop3A_292 = arith.subf %parallel_loop3A_291, %parallel_loop3A_289 : vector<16xf32>
        %parallel_loop3A_293 = arith.constant true
        %parallel_loop3A_294 = vector.broadcast %parallel_loop3A_293 : i1 to vector<16xi1>
        %parallel_loop3A_295 = tpu.scan <sum>, %parallel_loop3A_292 masked %parallel_loop3A_294 : vector<16xf32>, vector<16xi1> -> vector<16xf32>
        %parallel_loop3A_296 = vector.broadcast %parallel_loop3A_213 : i32 to vector<16xi32>
        tpu.vector_store_idx %arg21[%broadcast_in_dim3A_133, %parallel_loop3A_296], %parallel_loop3A_295 masked %eq3A_61 : memref<128x128xf32, #tpu.memory_space<vmem>>[vector<16xi32>, vector<16xi32>], vector<16xf32>, vector<16xi1>
      } {sc.loop_unroll_factor = 4 : i64, sc.parallel_access}
      %lt3A = arith.constant 63 : i32
      %lt3A_136 = arith.cmpi slt, %scan3A_70, %lt3A : i32
      %convert_element_type3A = arith.extui %lt3A_136 : i1 to i32
      %cond3A = arith.constant 0 : i32
      %cond3A_137 = arith.cmpi ne, %convert_element_type3A, %cond3A : i32
      scf.if %cond3A_137 {
        %add3A_213 = arith.constant 2 : i32
        %add3A_214 = arith.addi %mul3A_72, %add3A_213 : i32
        %dma_start3A_215 = arith.constant 0 : i32
        %dma_start3A_216 = tpu.memref_slice %arg15[%add3A_214, %dma_start3A_215] : memref<128x128xi32, #tpu.memory_space<vmem>> -> memref<1x128xi32, #tpu.memory_space<vmem>>
        %dma_start3A_217 = tpu.memref_squeeze %dma_start3A_216 : memref<1x128xi32, #tpu.memory_space<vmem>> -> memref<128xi32, #tpu.memory_space<vmem>>
        %dma_start3A_218 = arith.constant 0 : i32
        %dma_start3A_219 = arith.constant 0 : i32
        %dma_start3A_220 = tpu.memref_slice %arg7[%dma_start3A_218, %dma_start3A_219] : memref<100000x128xf32, #tpu.memory_space<hbm>> -> memref<100000x128xf32, #tpu.memory_space<hbm>>
        tpu.enqueue_indirect_dma source(%dma_start3A_220 : memref<100000x128xf32, #tpu.memory_space<hbm>>) target(%arg18 : memref<128x128xf32, #tpu.memory_space<vmem>>) offsets(%dma_start3A_217 : memref<128xi32, #tpu.memory_space<vmem>>) semaphore(%arg22 : memref<!tpu.dma_semaphore, #tpu.memory_space<semaphore_mem>>)
      } else {
      }
      %add3A_138 = arith.constant 1 : i32
      %add3A_139 = arith.addi %mul3A_72, %add3A_138 : i32
      %dma_wait3A_140 = arith.constant 0 : i32
      %dma_wait3A_141 = tpu.memref_slice %arg15[%add3A_139, %dma_wait3A_140] : memref<128x128xi32, #tpu.memory_space<vmem>> -> memref<1x128xi32, #tpu.memory_space<vmem>>
      %dma_wait3A_142 = tpu.memref_squeeze %dma_wait3A_141 : memref<1x128xi32, #tpu.memory_space<vmem>> -> memref<128xi32, #tpu.memory_space<vmem>>
      %dma_wait3A_143 = arith.constant 0 : i32
      %dma_wait3A_144 = arith.constant 0 : i32
      %dma_wait3A_145 = tpu.memref_slice %arg7[%dma_wait3A_143, %dma_wait3A_144] : memref<100000x128xf32, #tpu.memory_space<hbm>> -> memref<100000x128xf32, #tpu.memory_space<hbm>>
      tpu.wait_indirect_dma semaphore(%arg23 : memref<!tpu.dma_semaphore, #tpu.memory_space<semaphore_mem>>) src(%dma_wait3A_145 : memref<100000x128xf32, #tpu.memory_space<hbm>>) dst(%arg19 : memref<128x128xf32, #tpu.memory_space<vmem>>)
      %add3A_146 = arith.constant 1 : i32
      %add3A_147 = arith.addi %mul3A_72, %add3A_146 : i32
      %get3A_148 = arith.index_cast %add3A_147 : i32 to index
      %get3A_149 = arith.constant 0 : index
      %get3A_150 = tpu.vector_load %arg16[%get3A_148, %get3A_149] {strides = array<i32>} : memref<128x128xf32, #tpu.memory_space<vmem>>, vector<16xf32>,
      %get3A_151 = arith.index_cast %add3A_147 : i32 to index
      %get3A_152 = arith.constant 16 : index
      %get3A_153 = tpu.vector_load %arg16[%get3A_151, %get3A_152] {strides = array<i32>} : memref<128x128xf32, #tpu.memory_space<vmem>>, vector<16xf32>,
      %pack3A_154 = tpu.pack_subelements %get3A_150, %get3A_153 {pack_format = #tpu.pack_format<interleaved>, positions = array<i32: 0, 1>} : vector<16xf32>, vector<16xf32> -> vector<32xbf16>
      %get3A_155 = arith.index_cast %add3A_147 : i32 to index
      %get3A_156 = arith.constant 32 : index
      %get3A_157 = tpu.vector_load %arg16[%get3A_155, %get3A_156] {strides = array<i32>} : memref<128x128xf32, #tpu.memory_space<vmem>>, vector<16xf32>,
      %get3A_158 = arith.index_cast %add3A_147 : i32 to index
      %get3A_159 = arith.constant 48 : index
      %get3A_160 = tpu.vector_load %arg16[%get3A_158, %get3A_159] {strides = array<i32>} : memref<128x128xf32, #tpu.memory_space<vmem>>, vector<16xf32>,
      %pack3A_161 = tpu.pack_subelements %get3A_157, %get3A_160 {pack_format = #tpu.pack_format<interleaved>, positions = array<i32: 0, 1>} : vector<16xf32>, vector<16xf32> -> vector<32xbf16>
      %get3A_162 = arith.index_cast %add3A_147 : i32 to index
      %get3A_163 = arith.constant 64 : index
      %get3A_164 = tpu.vector_load %arg16[%get3A_162, %get3A_163] {strides = array<i32>} : memref<128x128xf32, #tpu.memory_space<vmem>>, vector<16xf32>,
      %get3A_165 = arith.index_cast %add3A_147 : i32 to index
      %get3A_166 = arith.constant 80 : index
      %get3A_167 = tpu.vector_load %arg16[%get3A_165, %get3A_166] {strides = array<i32>} : memref<128x128xf32, #tpu.memory_space<vmem>>, vector<16xf32>,
      %pack3A_168 = tpu.pack_subelements %get3A_164, %get3A_167 {pack_format = #tpu.pack_format<interleaved>, positions = array<i32: 0, 1>} : vector<16xf32>, vector<16xf32> -> vector<32xbf16>
      %get3A_169 = arith.index_cast %add3A_147 : i32 to index
      %get3A_170 = arith.constant 96 : index
      %get3A_171 = tpu.vector_load %arg16[%get3A_169, %get3A_170] {strides = array<i32>} : memref<128x128xf32, #tpu.memory_space<vmem>>, vector<16xf32>,
      %get3A_172 = arith.index_cast %add3A_147 : i32 to index
      %get3A_173 = arith.constant 112 : index
      %get3A_174 = tpu.vector_load %arg16[%get3A_172, %get3A_173] {strides = array<i32>} : memref<128x128xf32, #tpu.memory_space<vmem>>, vector<16xf32>,
      %pack3A_175 = tpu.pack_subelements %get3A_171, %get3A_174 {pack_format = #tpu.pack_format<interleaved>, positions = array<i32: 0, 1>} : vector<16xf32>, vector<16xf32> -> vector<32xbf16>
      %get3A_176 = arith.index_cast %add3A_147 : i32 to index
      %get3A_177 = arith.constant 0 : index
      %get3A_178 = tpu.vector_load %arg17[%get3A_176, %get3A_177] {strides = array<i32>} : memref<128x128xf32, #tpu.memory_space<vmem>>, vector<16xf32>,
      %get3A_179 = arith.index_cast %add3A_147 : i32 to index
      %get3A_180 = arith.constant 16 : index
      %get3A_181 = tpu.vector_load %arg17[%get3A_179, %get3A_180] {strides = array<i32>} : memref<128x128xf32, #tpu.memory_space<vmem>>, vector<16xf32>,
      %pack3A_182 = tpu.pack_subelements %get3A_178, %get3A_181 {pack_format = #tpu.pack_format<interleaved>, positions = array<i32: 0, 1>} : vector<16xf32>, vector<16xf32> -> vector<32xbf16>
      %get3A_183 = arith.index_cast %add3A_147 : i32 to index
      %get3A_184 = arith.constant 32 : index
      %get3A_185 = tpu.vector_load %arg17[%get3A_183, %get3A_184] {strides = array<i32>} : memref<128x128xf32, #tpu.memory_space<vmem>>, vector<16xf32>,
      %get3A_186 = arith.index_cast %add3A_147 : i32 to index
      %get3A_187 = arith.constant 48 : index
      %get3A_188 = tpu.vector_load %arg17[%get3A_186, %get3A_187] {strides = array<i32>} : memref<128x128xf32, #tpu.memory_space<vmem>>, vector<16xf32>,
      %pack3A_189 = tpu.pack_subelements %get3A_185, %get3A_188 {pack_format = #tpu.pack_format<interleaved>, positions = array<i32: 0, 1>} : vector<16xf32>, vector<16xf32> -> vector<32xbf16>
      %get3A_190 = arith.index_cast %add3A_147 : i32 to index
      %get3A_191 = arith.constant 64 : index
      %get3A_192 = tpu.vector_load %arg17[%get3A_190, %get3A_191] {strides = array<i32>} : memref<128x128xf32, #tpu.memory_space<vmem>>, vector<16xf32>,
      %get3A_193 = arith.index_cast %add3A_147 : i32 to index
      %get3A_194 = arith.constant 80 : index
      %get3A_195 = tpu.vector_load %arg17[%get3A_193, %get3A_194] {strides = array<i32>} : memref<128x128xf32, #tpu.memory_space<vmem>>, vector<16xf32>,
      %pack3A_196 = tpu.pack_subelements %get3A_192, %get3A_195 {pack_format = #tpu.pack_format<interleaved>, positions = array<i32: 0, 1>} : vector<16xf32>, vector<16xf32> -> vector<32xbf16>
      %get3A_197 = arith.index_cast %add3A_147 : i32 to index
      %get3A_198 = arith.constant 96 : index
      %get3A_199 = tpu.vector_load %arg17[%get3A_197, %get3A_198] {strides = array<i32>} : memref<128x128xf32, #tpu.memory_space<vmem>>, vector<16xf32>,
      %get3A_200 = arith.index_cast %add3A_147 : i32 to index
      %get3A_201 = arith.constant 112 : index
      %get3A_202 = tpu.vector_load %arg17[%get3A_200, %get3A_201] {strides = array<i32>} : memref<128x128xf32, #tpu.memory_space<vmem>>, vector<16xf32>,
      %pack3A_203 = tpu.pack_subelements %get3A_199, %get3A_202 {pack_format = #tpu.pack_format<interleaved>, positions = array<i32: 0, 1>} : vector<16xf32>, vector<16xf32> -> vector<32xbf16>
      %broadcast_in_dim3A_204 = vector.broadcast %add3A_147 : i32 to vector<16xi32>
      %parallel_loop3A_205 = arith.constant 0 : i32
      %parallel_loop3A_206 = arith.constant 128 : i32
      %parallel_loop3A_207 = arith.constant 1 : i32
      scf.for %parallel_loop3A_213 = %parallel_loop3A_205 to %parallel_loop3A_206 step %parallel_loop3A_207  : i32 {
        %parallel_loop3A_214 = arith.index_cast %parallel_loop3A_213 : i32 to index
        %parallel_loop3A_215 = arith.constant 0 : index
        %parallel_loop3A_216 = tpu.vector_load %arg19[%parallel_loop3A_214, %parallel_loop3A_215] {strides = array<i32>} : memref<128x128xf32, #tpu.memory_space<vmem>>, vector<16xf32>,
        %parallel_loop3A_217 = arith.index_cast %parallel_loop3A_213 : i32 to index
        %parallel_loop3A_218 = arith.constant 16 : index
        %parallel_loop3A_219 = tpu.vector_load %arg19[%parallel_loop3A_217, %parallel_loop3A_218] {strides = array<i32>} : memref<128x128xf32, #tpu.memory_space<vmem>>, vector<16xf32>,
        %parallel_loop3A_220 = tpu.pack_subelements %parallel_loop3A_216, %parallel_loop3A_219 {pack_format = #tpu.pack_format<interleaved>, positions = array<i32: 0, 1>} : vector<16xf32>, vector<16xf32> -> vector<32xbf16>
        %parallel_loop3A_221 = arith.subf %parallel_loop3A_220, %pack3A_154 : vector<32xbf16>
        %parallel_loop3A_222 = vector.bitcast %parallel_loop3A_221 : vector<32xbf16> to vector<16xi32>
        %parallel_loop3A_223 = arith.constant 2147450879 : i32
        %parallel_loop3A_224 = vector.broadcast %parallel_loop3A_223 : i32 to vector<16xi32>
        %parallel_loop3A_225 = arith.andi %parallel_loop3A_222, %parallel_loop3A_224 : vector<16xi32>
        %parallel_loop3A_226 = vector.bitcast %parallel_loop3A_225 : vector<16xi32> to vector<32xbf16>
        %parallel_loop3A_227 = arith.subf %parallel_loop3A_226, %pack3A_182 : vector<32xbf16>
        %parallel_loop3A_228 = arith.maximumf %parallel_loop3A_227, %broadcast_in_dim3A_62 : vector<32xbf16>
        %parallel_loop3A_229 = arith.addf %broadcast_in_dim3A_62, %parallel_loop3A_228 : vector<32xbf16>
        %parallel_loop3A_230 = arith.addf %broadcast_in_dim3A_62, %parallel_loop3A_226 : vector<32xbf16>
        %parallel_loop3A_231 = arith.index_cast %parallel_loop3A_213 : i32 to index
        %parallel_loop3A_232 = arith.constant 32 : index
        %parallel_loop3A_233 = tpu.vector_load %arg19[%parallel_loop3A_231, %parallel_loop3A_232] {strides = array<i32>} : memref<128x128xf32, #tpu.memory_space<vmem>>, vector<16xf32>,
        %parallel_loop3A_234 = arith.index_cast %parallel_loop3A_213 : i32 to index
        %parallel_loop3A_235 = arith.constant 48 : index
        %parallel_loop3A_236 = tpu.vector_load %arg19[%parallel_loop3A_234, %parallel_loop3A_235] {strides = array<i32>} : memref<128x128xf32, #tpu.memory_space<vmem>>, vector<16xf32>,
        %parallel_loop3A_237 = tpu.pack_subelements %parallel_loop3A_233, %parallel_loop3A_236 {pack_format = #tpu.pack_format<interleaved>, positions = array<i32: 0, 1>} : vector<16xf32>, vector<16xf32> -> vector<32xbf16>
        %parallel_loop3A_238 = arith.subf %parallel_loop3A_237, %pack3A_161 : vector<32xbf16>
        %parallel_loop3A_239 = vector.bitcast %parallel_loop3A_238 : vector<32xbf16> to vector<16xi32>
        %parallel_loop3A_240 = arith.constant 2147450879 : i32
        %parallel_loop3A_241 = vector.broadcast %parallel_loop3A_240 : i32 to vector<16xi32>
        %parallel_loop3A_242 = arith.andi %parallel_loop3A_239, %parallel_loop3A_241 : vector<16xi32>
        %parallel_loop3A_243 = vector.bitcast %parallel_loop3A_242 : vector<16xi32> to vector<32xbf16>
        %parallel_loop3A_244 = arith.subf %parallel_loop3A_243, %pack3A_189 : vector<32xbf16>
        %parallel_loop3A_245 = arith.maximumf %parallel_loop3A_244, %broadcast_in_dim3A_62 : vector<32xbf16>
        %parallel_loop3A_246 = arith.addf %parallel_loop3A_229, %parallel_loop3A_245 : vector<32xbf16>
        %parallel_loop3A_247 = arith.addf %parallel_loop3A_230, %parallel_loop3A_243 : vector<32xbf16>
        %parallel_loop3A_248 = arith.index_cast %parallel_loop3A_213 : i32 to index
        %parallel_loop3A_249 = arith.constant 64 : index
        %parallel_loop3A_250 = tpu.vector_load %arg19[%parallel_loop3A_248, %parallel_loop3A_249] {strides = array<i32>} : memref<128x128xf32, #tpu.memory_space<vmem>>, vector<16xf32>,
        %parallel_loop3A_251 = arith.index_cast %parallel_loop3A_213 : i32 to index
        %parallel_loop3A_252 = arith.constant 80 : index
        %parallel_loop3A_253 = tpu.vector_load %arg19[%parallel_loop3A_251, %parallel_loop3A_252] {strides = array<i32>} : memref<128x128xf32, #tpu.memory_space<vmem>>, vector<16xf32>,
        %parallel_loop3A_254 = tpu.pack_subelements %parallel_loop3A_250, %parallel_loop3A_253 {pack_format = #tpu.pack_format<interleaved>, positions = array<i32: 0, 1>} : vector<16xf32>, vector<16xf32> -> vector<32xbf16>
        %parallel_loop3A_255 = arith.subf %parallel_loop3A_254, %pack3A_168 : vector<32xbf16>
        %parallel_loop3A_256 = vector.bitcast %parallel_loop3A_255 : vector<32xbf16> to vector<16xi32>
        %parallel_loop3A_257 = arith.constant 2147450879 : i32
        %parallel_loop3A_258 = vector.broadcast %parallel_loop3A_257 : i32 to vector<16xi32>
        %parallel_loop3A_259 = arith.andi %parallel_loop3A_256, %parallel_loop3A_258 : vector<16xi32>
        %parallel_loop3A_260 = vector.bitcast %parallel_loop3A_259 : vector<16xi32> to vector<32xbf16>
        %parallel_loop3A_261 = arith.subf %parallel_loop3A_260, %pack3A_196 : vector<32xbf16>
        %parallel_loop3A_262 = arith.maximumf %parallel_loop3A_261, %broadcast_in_dim3A_62 : vector<32xbf16>
        %parallel_loop3A_263 = arith.addf %parallel_loop3A_246, %parallel_loop3A_262 : vector<32xbf16>
        %parallel_loop3A_264 = arith.addf %parallel_loop3A_247, %parallel_loop3A_260 : vector<32xbf16>
        %parallel_loop3A_265 = arith.index_cast %parallel_loop3A_213 : i32 to index
        %parallel_loop3A_266 = arith.constant 96 : index
        %parallel_loop3A_267 = tpu.vector_load %arg19[%parallel_loop3A_265, %parallel_loop3A_266] {strides = array<i32>} : memref<128x128xf32, #tpu.memory_space<vmem>>, vector<16xf32>,
        %parallel_loop3A_268 = arith.index_cast %parallel_loop3A_213 : i32 to index
        %parallel_loop3A_269 = arith.constant 112 : index
        %parallel_loop3A_270 = tpu.vector_load %arg19[%parallel_loop3A_268, %parallel_loop3A_269] {strides = array<i32>} : memref<128x128xf32, #tpu.memory_space<vmem>>, vector<16xf32>,
        %parallel_loop3A_271 = tpu.pack_subelements %parallel_loop3A_267, %parallel_loop3A_270 {pack_format = #tpu.pack_format<interleaved>, positions = array<i32: 0, 1>} : vector<16xf32>, vector<16xf32> -> vector<32xbf16>
        %parallel_loop3A_272 = arith.subf %parallel_loop3A_271, %pack3A_175 : vector<32xbf16>
        %parallel_loop3A_273 = vector.bitcast %parallel_loop3A_272 : vector<32xbf16> to vector<16xi32>
        %parallel_loop3A_274 = arith.constant 2147450879 : i32
        %parallel_loop3A_275 = vector.broadcast %parallel_loop3A_274 : i32 to vector<16xi32>
        %parallel_loop3A_276 = arith.andi %parallel_loop3A_273, %parallel_loop3A_275 : vector<16xi32>
        %parallel_loop3A_277 = vector.bitcast %parallel_loop3A_276 : vector<16xi32> to vector<32xbf16>
        %parallel_loop3A_278 = arith.subf %parallel_loop3A_277, %pack3A_203 : vector<32xbf16>
        %parallel_loop3A_279 = arith.maximumf %parallel_loop3A_278, %broadcast_in_dim3A_62 : vector<32xbf16>
        %parallel_loop3A_280 = arith.addf %parallel_loop3A_263, %parallel_loop3A_279 : vector<32xbf16>
        %parallel_loop3A_281 = arith.addf %parallel_loop3A_264, %parallel_loop3A_277 : vector<32xbf16>
        %parallel_loop3A_282 = arith.mulf %broadcast_in_dim3A_64, %parallel_loop3A_281 : vector<32xbf16>
        %parallel_loop3A_283 = arith.addf %parallel_loop3A_280, %parallel_loop3A_282 : vector<32xbf16>
        %parallel_loop3A_284 = tpu.unpack_subelements %parallel_loop3A_283, 0 {pack_format = #tpu.pack_format<interleaved>} : vector<32xbf16> -> vector<16xf32>
        %parallel_loop3A_285 = tpu.unpack_subelements %parallel_loop3A_283, 1 {pack_format = #tpu.pack_format<interleaved>} : vector<32xbf16> -> vector<16xf32>
        %parallel_loop3A_286 = arith.addf %parallel_loop3A_284, %parallel_loop3A_285 : vector<16xf32>
        %parallel_loop3A_287 = arith.constant 9.800000e-01 : f32
        %parallel_loop3A_288 = vector.broadcast %parallel_loop3A_287 : f32 to vector<16xf32>
        %parallel_loop3A_289 = arith.mulf %parallel_loop3A_288, %parallel_loop3A_286 : vector<16xf32>
        %parallel_loop3A_290 = arith.constant 1.500000e+00 : f32
        %parallel_loop3A_291 = vector.broadcast %parallel_loop3A_290 : f32 to vector<16xf32>
        %parallel_loop3A_292 = arith.subf %parallel_loop3A_291, %parallel_loop3A_289 : vector<16xf32>
        %parallel_loop3A_293 = arith.constant true
        %parallel_loop3A_294 = vector.broadcast %parallel_loop3A_293 : i1 to vector<16xi1>
        %parallel_loop3A_295 = tpu.scan <sum>, %parallel_loop3A_292 masked %parallel_loop3A_294 : vector<16xf32>, vector<16xi1> -> vector<16xf32>
        %parallel_loop3A_296 = vector.broadcast %parallel_loop3A_213 : i32 to vector<16xi32>
        tpu.vector_store_idx %arg21[%broadcast_in_dim3A_204, %parallel_loop3A_296], %parallel_loop3A_295 masked %eq3A_61 : memref<128x128xf32, #tpu.memory_space<vmem>>[vector<16xi32>, vector<16xi32>], vector<16xf32>, vector<16xi1>
      } {sc.loop_unroll_factor = 4 : i64, sc.parallel_access}
      %lt3A_208 = arith.constant 63 : i32
      %lt3A_209 = arith.cmpi slt, %scan3A_70, %lt3A_208 : i32
      %convert_element_type3A_210 = arith.extui %lt3A_209 : i1 to i32
      %cond3A_211 = arith.constant 0 : i32
      %cond3A_212 = arith.cmpi ne, %convert_element_type3A_210, %cond3A_211 : i32
      scf.if %cond3A_212 {
        %add3A_213 = arith.constant 3 : i32
        %add3A_214 = arith.addi %mul3A_72, %add3A_213 : i32
        %dma_start3A_215 = arith.constant 0 : i32
        %dma_start3A_216 = tpu.memref_slice %arg15[%add3A_214, %dma_start3A_215] : memref<128x128xi32, #tpu.memory_space<vmem>> -> memref<1x128xi32, #tpu.memory_space<vmem>>
        %dma_start3A_217 = tpu.memref_squeeze %dma_start3A_216 : memref<1x128xi32, #tpu.memory_space<vmem>> -> memref<128xi32, #tpu.memory_space<vmem>>
        %dma_start3A_218 = arith.constant 0 : i32
        %dma_start3A_219 = arith.constant 0 : i32
        %dma_start3A_220 = tpu.memref_slice %arg7[%dma_start3A_218, %dma_start3A_219] : memref<100000x128xf32, #tpu.memory_space<hbm>> -> memref<100000x128xf32, #tpu.memory_space<hbm>>
        tpu.enqueue_indirect_dma source(%dma_start3A_220 : memref<100000x128xf32, #tpu.memory_space<hbm>>) target(%arg19 : memref<128x128xf32, #tpu.memory_space<vmem>>) offsets(%dma_start3A_217 : memref<128xi32, #tpu.memory_space<vmem>>) semaphore(%arg23 : memref<!tpu.dma_semaphore, #tpu.memory_space<semaphore_mem>>)
      } else {
      }
    }
    %scan3A_69 = arith.constant 64 : i32
    "tpu.region"() ({
      %run_scoped3A = tpu.sem_alloc : memref<!tpu.dma_semaphore, #tpu.memory_space<semaphore_mem>>
      %dma_start3A_70 = arith.constant 0 : i32
      %dma_start3A_71 = tpu.memref_slice %arg12[%mul3A_2, %dma_start3A_70] : memref<4096x128xf32, #tpu.memory_space<hbm>> -> memref<128x128xf32, #tpu.memory_space<hbm>>
      %dma_start3A_72 = arith.constant 0 : i32
      %dma_start3A_73 = tpu.memref_slice %arg12[%mul3A_2, %dma_start3A_72] : memref<4096x128xf32, #tpu.memory_space<hbm>> -> memref<128x128xf32, #tpu.memory_space<hbm>>
      tpu.enqueue_dma source(%arg21 : memref<128x128xf32, #tpu.memory_space<vmem>>) target(%dma_start3A_73 : memref<128x128xf32, #tpu.memory_space<hbm>>) target_semaphore(%run_scoped3A : memref<!tpu.dma_semaphore, #tpu.memory_space<semaphore_mem>>)
      %dma_wait3A_74 = arith.constant 0 : i32
      %dma_wait3A_75 = tpu.memref_slice %arg12[%mul3A_2, %dma_wait3A_74] : memref<4096x128xf32, #tpu.memory_space<hbm>> -> memref<128x128xf32, #tpu.memory_space<hbm>>
      %dma_wait3A_76 = arith.constant 0 : i32
      %dma_wait3A_77 = tpu.memref_slice %arg12[%mul3A_2, %dma_wait3A_76] : memref<4096x128xf32, #tpu.memory_space<hbm>> -> memref<128x128xf32, #tpu.memory_space<hbm>>
      tpu.wait_dma2 semaphore(%run_scoped3A : memref<!tpu.dma_semaphore, #tpu.memory_space<semaphore_mem>>) src(%arg21 : memref<128x128xf32, #tpu.memory_space<vmem>>) dst(%dma_wait3A_77 : memref<128x128xf32, #tpu.memory_space<hbm>>)
      tpu.yield
    }) : () -> ()
    return
  }
}

</mosaic_0001>

<sc_bundles>
// kernel: _sc_call.3.cloned.1.call-start
scs
__scs_entry_jumppad:
0x0: {  	(pc) =	sbr.rel $0x88, $3  }
0x1: {  	(tag) =	ssettag $0x0;
	lr =	simm.s32 $0x1  }
0x2: {  	[smem:$0x3F97] =	sst lr;
	_ =	strace $0xD0000000  }
0x3: {  	_ = 	snop  }
0x4: {  	_ = 	snop  }
0x5: {  	_ = 	snop  }
0x6: {  	_ = 	snop  }
0x7: {  	_ = 	snop  }
__scs_overlays_trampoline_lowered:
0x8: {  	[smem:$0x3FA6] =	sst s0  }
0x9: {  	[smem:$0x3FA7] =	sst s1  }
0xa: {  	[smem:$0x3FA8] =	sst s2  }
0xb: {  	[smem:$0x3FA9] =	sst s3  }
0xc: {  	[smem:$0x3FAA] =	sst s4  }
0xd: {  	[smem:$0x3FAB] =	sst s5  }
0xe: {  	[smem:$0x3FAC] =	sst s6  }
0xf: {  	[smem:$0x3FAD] =	sst s7  }
0x10: {  	[smem:$0x3FAE] =	sst s8  }
0x11: {  	[smem:$0x3FAF] =	sst s9;
	s0 =	simm.s32 @!p0 $0x0  }
0x12: {  	s1 =	sld [smem:$0x3F95];
	s0 =	simm.s32 @p0 $0x1  }
0x13: {  	[smem:$0x3FB0] =	sst s0;
	s0 =	simm.s32 @!p1 $0x0  }
0x14: {  	s2 =	sld [smem:$0x3F94];
	s0 =	simm.s32 @p1 $0x1  }
0x15: {  	[smem:$0x3FB1] =	sst s0;
	s0 =	simm.s32 @!p2 $0x0  }
0x16: {  	s3 =	sld [smem:$0x3FDB];
	s0 =	simm.s32 @p2 $0x1  }
0x17: {  	s4 =	simm.s32 $0x1BF5;
	[smem:$0x3FB3] =	sst s0  }
0x18: {  	s0 =	sld [smem:$0x3F96];
	_ =	swait.ge [sflag:s4], $0x0  }
0x19: {  	s7 =	sld [smem:$0x3F97]  }
0x1a: {  	s8 =	sadd.s32 $0xFFFFE003, lr  }
0x1b: {  	s9 =	sadd.s32 $0xFFFFFEF7, lr;
	s5 =	simm.s32 $0xFFFFFFFF;
	p2 =	slt.u32 s8, $0xFFFFF086  }
0x1c: {  	p1 =	slt.u32 s9, $0xF7A;
	s5 =	simm.s32 @!p2 $0x0  }
0x1d: {  	s5 =	simm.s32 @p1 $0x1;
	p0 =	seq.s32 s7, s2  }
0x1e: {  	s7 =	smul.u32 @!p0 $0xF7A, s2;
	p2 =	seq.s32 @!p0 s5, $0x0  }
0x1f: {  	s9 =	smul.u32 $0xF7A, s1;
	s8 =	simm.s32 @!p0 $0x1BF5;
	p2 =	por !p2, p0  }
0x20: {  	[sflag:s8] =	ssyncset.s32 @!p0 $0xFFFFF086;
	s6 =	sadd.s32 @!p0 s3, s7;
	s7 =	simm.s32 @!p0 $0x108  }
0x21: {  	s3 =	sadd.s32 s3, s9;
	s6 =	sadd.s32 @!p0 $0x88, s6;
	s7 =	simm.s32 @p2 $0x1082  }
0x22: {  	[simem:s7], [sflag:s8] =	dma.local @!p0 [hbm:s6], $0xF7A  }
0x23: {  	s9 =	sor.u32 $0xD0000000, s2;
	s6 =	simm.s32 $0x108;
	_ =	swait.ge @!p0 [sflag:s8], $0x0  }
0x24: {  	s3 =	sadd.s32 $0x88, s3;
	s6 =	simm.s32 @!p1 $0x1082;
	[sflag:s4] =	ssyncset.s32 $0xFFFFF086  }
0x25: {  	[simem:s6], [sflag:s4] =	dma.local [hbm:s3], $0xF7A  }
0x26: {  	[smem:$0x3F97] =	sst s1;
	(tag) =	ssettag s2;
	_ =	strace s9  }
0x27: {  	s1 =	sld [smem:$0x3FA7]  }
0x28: {  	s2 =	sld [smem:$0x3FA8]  }
0x29: {  	s4 =	sld [smem:$0x3FAA]  }
0x2a: {  	p0 =	seq.s32 s5, $0x0;
	s5 =	sld [smem:$0x3FAB]  }
0x2b: {  	s6 =	sld [smem:$0x3FAC]  }
0x2c: {  	s7 =	sld [smem:$0x3FAD]  }
0x2d: {  	s3 =	simm.s32 $0x108;
	s8 =	sld [smem:$0x3FAE]  }
0x2e: {  	s3 =	simm.s32 @!p0 $0x1082;
	s9 =	sld [smem:$0x3FAF]  }
0x2f: {  	lr =	sadd.s32 s0, s3;
	s0 =	sld [smem:$0x3FA6]  }
0x30: {  	s3 =	sld [smem:$0x3FA9]  }
0x31: {  	[smem:$0x3FB2] =	sst s10  }
0x32: {  	s10 =	sld [smem:$0x3FB0];
	_ =	sdelay $0x3  }
0x33: {  	p0 =	seq.s32 s10, $0x1;
	s10 =	sld [smem:$0x3FB2];
	_ =	sdelay $0x3  }
0x34: {  	[smem:$0x3FB2] =	sst s10  }
0x35: {  	s10 =	sld [smem:$0x3FB1];
	_ =	sdelay $0x3  }
0x36: {  	p1 =	seq.s32 s10, $0x1;
	s10 =	sld [smem:$0x3FB2];
	_ =	sdelay $0x3  }
0x37: {  	[smem:$0x3FB2] =	sst s10  }
0x38: {  	s10 =	sld [smem:$0x3FB3]  }
0x39: {  	_ = 	snop;
	(pc) =	sbr.ind lr, $3  }
0x3a: {  	_ = 	snop  }
0x3b: {  	_ = 	snop  }
0x3c: {  	p2 =	seq.s32 s10, $0x1;
	s10 =	sld [smem:$0x3FB2]  }
0x3d: {  	_ =	shalt  }
0x3e: {  	_ =	shalt  }
0x3f: {  	_ =	shalt  }
0x40: {  	_ =	shalt  }
0x41: {  	_ =	shalt  }
0x42: {  	_ =	shalt  }
0x43: {  	_ =	shalt  }
0x44: {  	_ =	shalt  }
0x45: {  	_ =	shalt  }
0x46: {  	_ =	shalt  }
0x47: {  	_ =	shalt  }
0x48: {  	_ =	shalt  }
0x49: {  	_ =	shalt  }
0x4a: {  	_ =	shalt  }
0x4b: {  	_ =	shalt  }
0x4c: {  	_ =	shalt  }
0x4d: {  	_ =	shalt  }
0x4e: {  	_ =	shalt  }
0x4f: {  	_ =	shalt  }
0x50: {  	_ =	shalt  }
0x51: {  	_ =	shalt  }
0x52: {  	_ =	shalt  }
0x53: {  	_ =	shalt  }
0x54: {  	_ =	shalt  }
0x55: {  	_ =	shalt  }
0x56: {  	_ =	shalt  }
0x57: {  	_ =	shalt  }
0x58: {  	_ =	shalt  }
0x59: {  	_ =	shalt  }
0x5a: {  	_ =	shalt  }
0x5b: {  	_ =	shalt  }
0x5c: {  	_ =	shalt  }
0x5d: {  	_ =	shalt  }
0x5e: {  	_ =	shalt  }
0x5f: {  	_ =	shalt  }
0x60: {  	_ =	shalt  }
0x61: {  	_ =	shalt  }
0x62: {  	_ =	shalt  }
0x63: {  	_ =	shalt  }
0x64: {  	_ =	shalt  }
0x65: {  	_ =	shalt  }
0x66: {  	_ =	shalt  }
0x67: {  	_ =	shalt  }
0x68: {  	_ =	shalt  }
0x69: {  	_ =	shalt  }
0x6a: {  	_ =	shalt  }
0x6b: {  	_ =	shalt  }
0x6c: {  	_ =	shalt  }
0x6d: {  	_ =	shalt  }
0x6e: {  	_ =	shalt  }
0x6f: {  	_ =	shalt  }
0x70: {  	_ =	shalt  }
0x71: {  	_ =	shalt  }
0x72: {  	_ =	shalt  }
0x73: {  	_ =	shalt  }
0x74: {  	_ =	shalt  }
0x75: {  	_ =	shalt  }
0x76: {  	_ =	shalt  }
0x77: {  	_ =	shalt  }
0x78: {  	_ =	shalt  }
0x79: {  	_ =	shalt  }
0x7a: {  	_ =	shalt  }
0x7b: {  	_ =	shalt  }
0x7c: {  	_ =	shalt  }
0x7d: {  	_ =	shalt  }
0x7e: {  	_ =	shalt  }
0x7f: {  	_ =	shalt  }
0x80: {  	_ =	shalt  }
0x81: {  	_ =	shalt  }
0x82: {  	_ =	shalt  }
0x83: {  	_ =	shalt  }
0x84: {  	_ =	shalt  }
0x85: {  	_ =	shalt  }
0x86: {  	_ =	shalt  }
0x87: {  	_ =	shalt  }
.Lfunc_end0:
.L_simem_size_0:
called_computation_lowered:
.L_overlay_start_0:
0x88: {  	s2 =	sld [smem:$0x3FD9]  }
0x89: {  	s3 =	sld [smem:$0x3FFE];
	_ =	sdelay $0x1  }
0x8a: {  	s1 =	srdreg.scid  }
0x8b: {  	s0 =	sand.u32 $0x1, s1  }
0x8c: {  	s18 =	sshll.u32 s0, $0xA;
	s2 =	sadd.s32 s3, s2  }
0x8d: {  	s2 =	sadd.s32 s2, s18  }
0x8e: {  	[smem:$0x3FBE] =	sst s2  }
0x8f: {  	_ = 	snop  }
0x90: {  	s2 =	sld [smem:$0x3FC9]  }
0x91: {  	s19 =	sld [smem:$0x3FC8]  }
0x92: {  	s4 =	sld [smem:$0x3FC7]  }
0x93: {  	s5 =	sld [smem:$0x3FC6]  }
0x94: {  	s6 =	sld [smem:$0x3FC5]  }
0x95: {  	s7 =	sld [smem:$0x3FC4]  }
0x96: {  	s8 =	sld [smem:$0x3FC3]  }
0x97: {  	s9 =	sld [smem:$0x3FC2]  }
0x98: {  	s10 =	sld [smem:$0x3FC1]  }
0x99: {  	s11 =	sld [smem:$0x3FC0]  }
0x9a: {  	s12 =	sld [smem:$0x3FD0];
	(tm) =	ssettm $0x1  }
0x9b: {  	s13 =	sld [smem:$0x3FFB];
	_ =	sdelay $0x3  }
0x9c: {  	_ =	strace s13  }
0x9d: {  	s13 =	sld [smem:$0x3FFC];
	_ =	sdelay $0x3  }
0x9e: {  	_ =	strace s13  }
0x9f: {  	s13 =	sld [smem:$0x3FFD];
	_ =	sdelay $0x3  }
0xa0: {  	_ =	strace s13  }
0xa1: {  	_ =	strace $0x8FFFFFFF  }
0xa2: {  	s20 =	sld [smem:$0x3FDB];
	_ =	sdelay $0x1  }
0xa3: {  	s14 =	simm.s32 $_scs_section_size  }
0xa4: {  	s15 =	simm.s32 $_size__tile_overlayer_lowered;
	s16 =	simm.s32 $_tile_overlayer_lowered  }
0xa5: {  	s23 =	simm.s32 $0x1BFF;
	s22 =	sshll.u32 s16, $0x1;
	s13 =	sadd.s32 s14, s20  }
0xa6: {  	s17 =	simm.s32 $0x0;
	s21 =	sshll.u32 s15, $0x1;
	s15 =	sadd.s32 s22, s13  }
0xa7: {  	[timem:s17], [sflag:s23] =	dma.local [hbm:s15], s21  }
0xa8: {  	_ =	swait.ge [sflag:s23], s21  }
0xa9: {  	s14 =	ssub.s32 $0x0, s21;
	[sflag:s23] =	ssyncset.done $0x0  }
0xaa: {  	[sflag:s23] =	ssyncadd.s32 s14;
	_ =	sdelay $0x1  }
0xab: {  	s24 =	simm.s32 $0x1B8B  }
0xac: {  	_ =	swait.ge [sflag:s24], $0x1  }
0xad: {  	[sflag:s24] =	ssyncset.done $0x0  }
0xae: {  	s25 =	simm.s32 $0x1B8E;
	[sflag:s24] =	ssyncadd.s32 $0xFFFFFFFF  }
0xaf: {  	s26 =	simm.s32 $execute0_lowered;
	[smem:$0x3FD2] =	sst s25  }
0xb0: {  	s14 =	sshll.u32 s26, $0x1;
	_ =	strace $0x80000046;
	[dreg:$0x1] =	wrdreg $0xFFFFFFFF  }
0xb1: {  	s28 =	simm.s32 $_size_execute0_lowered;
	s13 =	sadd.s32 s13, s14;
	[dreg:$0x0] =	wrdreg $0x0  }
0xb2: {  	s14 =	sshll.u32 s28, $0x1;
	[dreg:$0x2] =	wrdreg s13  }
0xb3: {  	[dreg:$0x3] =	wrdreg s14  }
0xb4: {  	[dreg:$0x4] =	wrdreg $0xC0  }
0xb5: {  	_ =	task [dreg:s17], $0x5FFFF  }
0xb6: {  	[dreg:$0x1] =	wrdreg $0xFFFFFFFF  }
0xb7: {  	[dreg:$0x0] =	wrdreg $0x60  }
0xb8: {  	[dreg:$0x2] =	wrdreg s2  }
0xb9: {  	[dreg:$0x3] =	wrdreg s19  }
0xba: {  	[dreg:$0x4] =	wrdreg s4  }
0xbb: {  	[dreg:$0x5] =	wrdreg s5  }
0xbc: {  	[dreg:$0x6] =	wrdreg s6  }
0xbd: {  	[dreg:$0x7] =	wrdreg s7  }
0xbe: {  	[dreg:$0x8] =	wrdreg s8  }
0xbf: {  	[dreg:$0x9] =	wrdreg s9  }
0xc0: {  	[dreg:$0xa] =	wrdreg s10  }
0xc1: {  	[dreg:$0xb] =	wrdreg s11  }
0xc2: {  	[dreg:$0xc] =	wrdreg s12  }
0xc3: {  	[dreg:$0xd] =	wrdreg $0x9  }
0xc4: {  	_ =	task.clear_ibuf [dreg:s17], $0xEFFFF;
	_ =	strace $0x90000046  }
0xc5: {  	s29 =	simm.s32 $0x9;
	_ =	strace $0x80000048  }
0xc6: {  	_ =	swait.ge [sflag:s29], $0x1  }
0xc7: {  	[sflag:s29] =	ssyncadd.s32 $0xFFFFFFFF  }
0xc8: {  	_ =	strace $0x90000048  }
0xc9: {  	_ =	sfence  }
0xca: {  	s30 =	sld [smem:$0x0];
	_ =	sdelay $0x2  }
0xcb: {  	s31 =	sshll.u32 s1, $0xD;
	s1 =	sshrl.u32 s1, $0x2  }
0xcc: {  	s3 =	sand.u32 $0x4000, s31;
	s1 =	sadd.s32 s1, s30  }
0xcd: {  	s0 =	sor.u32 s3, s0;
	s1 =	sshll.u32 s1, $0x11  }
0xce: {  	s0 =	sor.u32 s1, s0  }
0xcf: {  	s0 =	sadd.s32 $0x8F2B, s0  }
0xd0: {  	[sflag:s0] =	ssyncadd.remote.s32 $0x1  }
0xd1: {  	_ =	sfence.sel $0xFFFF  }
0xd2: {  	[dreg:$0x0] =	wrdreg $0xFFFFFFFF;
	(pc) =	sbr.abs _section_cstart, $3  }
0xd3: {  	[dreg:$0x1] =	wrdreg $0xFFFFFFFF  }
0xd4: {  	_ =	task.clear_ibuf [dreg:s17], $0x2FFFF;
	_ =	strace $0x9FFFFFFF  }
0xd5: {  	(tm) =	ssettm $0x7FFFFFFF  }
tec
execute0_lowered:
.L_overlay_start_1:
0x0: {  	(tag) =	ssettag $0x1  }
0x1: {  	s0 =	rddreg [dreg:$0x0]  }
0x2: {  	s1 =	rddreg [dreg:$0x1]  }
0x3: {  	s3 =	rddreg [dreg:$0x2]  }
0x4: {  	s2 =	rddreg [dreg:$0x5]  }
0x5: {  	s6 =	rddreg [dreg:$0x8]  }
0x6: {  	s8 =	rddreg [dreg:$0x9]  }
0x7: {  	s7 =	rddreg [dreg:$0xa];
	s9 =	srdreg.scid  }
0x8: {  	s4 =	stileid.u32;
	s15 =	simm.s32 $0x4;
	s16 =	simm.s32 $0x80  }
0x9: {  	s17 =	simm.s32 $0x100;
	s18 =	simm.s32 $0xC100;
	s19 =	simm.s32 $0x180  }
0xa: {  	s20 =	simm.s32 $0x10100;
	s21 =	simm.s32 $0x4100;
	s22 =	simm.s32 $0x18100  }
0xb: {  	s23 =	simm.s32 $0x14100;
	s24 =	simm.s32 $0x3;
	s25 =	simm.s32 $0x8100  }
0xc: {  	s26 =	simm.s32 $0x1;
	s28 =	simm.s32 $0x2;
	s29 =	simm.s32 $0x0  }
0xd: {  	s10 =	sand.u32 $0x1, s9;
	s9 =	simm.s32 $0x0;
	s11 =	sshll.u32 s4, $0x8  }
.Ltmp0:
0xe: {  	s12 =	sshll.u32 s10, $0x7;
	s10 =	ssub.s32 $0x2, s10;
	(pc) =	sbr.rel .LBB2_1-.Ltmp0, $4  }
0xf: {  	[smem:$0x7FF] =	sst s9;
	s11 =	sor.u32 s12, s11;
	s30 =	sshrl.u32 s10, $0x1  }
0x10: {  	_ =	strace $0x80000047;
	s13 =	sshrl.u32 s11, $0x3;
	s14 =	ssub.s32 s10, s30  }
0x11: {  	s31 =	sshll.u32 s11, $0x4;
	s10 =	sadd.s32 s0, s13;
	s11 =	sadd.s32 s1, s13  }
0x12: {  	v0 =	vimm.bf16 $0.0e+00;
	v1 =	vimm.bf16 $2.0390e-02;
	vm0 =	vcmask $0x3F3C;
	s12 =	sadd.s32 s3, s31;
	s13 =	sadd.s32 s7, s31;
	s14 =	smax.u32 s14, $0x1  }
.LBB2_12:
0x13: {  	s29 =	sadd.s32 $0x1, s29  }
0x14: {  	p0 =	sne.s32 s29, s14  }
.Ltmp1:
0x15: {  	_ = 	snop;
	(pc) =	sbr.rel @!p0 .LBB2_13-.Ltmp1, $4  }
0x16: {  	[hbm4b:s13+s9] =	stream.linear.scatter [tilespmem:s22], [sflag:$0x4], $0x4000, $0x38;
	[tilespmem:$0x1C100] =	vst v63  }
0x17: {  	_ =	swait.ge [sflag:s15], $0x4000  }
0x18: {  	[sflag:s15] =	ssyncset.done $0x0  }
0x19: {  	[sflag:s15] =	ssyncadd.s32 $0xFFFFC000  }
.LBB2_1:
0x1a: {  	[tilespmem:s9], [sflag:$0x4] =	stream.linear.gather [hbm4b:s10+s9], $0x80, $0x38;
	[tilespmem:$0x1C100] =	vst v63  }
0x1b: {  	_ =	swait.ge [sflag:s15], $0x80  }
0x1c: {  	[sflag:s15] =	ssyncset.done $0x0  }
0x1d: {  	[sflag:s15] =	ssyncadd.s32 $0xFFFFFF80  }
0x1e: {  	[tilespmem:s16], [sflag:$0x4] =	stream.linear.gather [hbm4b:s11+s9], $0x80, $0x38;
	[tilespmem:$0x1C100] =	vst v63  }
0x1f: {  	_ =	swait.ge [sflag:s15], $0x80  }
0x20: {  	[sflag:s15] =	ssyncset.done $0x0  }
0x21: {  	[sflag:s15] =	ssyncadd.s32 $0xFFFFFF80  }
0x22: {  	[tilespmem:s17], [sflag:$0x4] =	stream.linear.gather [hbm4b:s12+s9], $0x4000, $0x38;
	[tilespmem:$0x1C100] =	vst v63  }
0x23: {  	_ =	swait.ge [sflag:s15], $0x4000  }
0x24: {  	[sflag:s15] =	ssyncset.done $0x0  }
0x25: {  	[sflag:s15] =	ssyncadd.s32 $0xFFFFC000  }
0x26: {  	[tilespmem:s18], [sflag:$0x1] =	stream.indirect.gather [hbm4b:s2+s16], $0x80, s17, s16, $0xb8;
	[tilespmem:$0x1C100] =	vst v63  }
0x27: {  	_ = 	snop  }
0x28: {  	[tilespmem:s20], [sflag:$0x2] =	stream.indirect.gather [hbm4b:s2+s16], $0x80, s19, s16, $0xb8;
	[tilespmem:$0x1C100] =	vst v63  }
0x29: {  	s0 =	rddreg [dreg:$0x3]  }
0x2a: {  	[tilespmem:s21], [sflag:$0x3] =	stream.indirect.gather [hbm4b:s0+s16], $0x80, s9, s16, $0xb8;
	[tilespmem:$0x1C100] =	vst v63  }
0x2b: {  	s30 =	rddreg [dreg:$0x6]  }
0x2c: {  	[tilespmem:s22], [sflag:$0x3] =	stream.indirect.gather [hbm4b:s30+s16], $0x80, s16, s16, $0xb8;
	[tilespmem:$0x1C100] =	vst v63  }
0x2d: {  	s31 =	rddreg [dreg:$0x7]  }
0x2e: {  	[tilespmem:s23], [sflag:$0x3] =	stream.indirect.gather [hbm4b:s31+s16], $0x80, s16, s16, $0xb8;
	[tilespmem:$0x1C100] =	vst v63  }
0x2f: {  	_ =	swait.ge [sflag:s24], $0x4000  }
0x30: {  	[sflag:s24] =	ssyncset.done $0x0  }
0x31: {  	[sflag:s24] =	ssyncadd.s32 $0xFFFFC000  }
0x32: {  	_ =	swait.ge [sflag:s24], $0x4000  }
0x33: {  	[sflag:s24] =	ssyncset.done $0x0  }
0x34: {  	[sflag:s24] =	ssyncadd.s32 $0xFFFFC000  }
0x35: {  	_ =	swait.ge [sflag:s24], $0x4000  }
0x36: {  	[sflag:s24] =	ssyncset.done $0x0  }
0x37: {  	s0 =	simm.s32 $0x0;
	[sflag:s24] =	ssyncadd.s32 $0xFFFFC000  }
0x38: {  	v7 =	vld [tilespmem:s0+$0x14100]  }
0x39: {  	v6 =	vld [tilespmem:s0+$0x14110]  }
0x3a: {  	v5 =	vld [tilespmem:s0+$0x14120]  }
0x3b: {  	v4 =	vld [tilespmem:s0+$0x14130]  }
0x3c: {  	v3 =	vld [tilespmem:s0+$0x14140]  }
0x3d: {  	v2 =	vld [tilespmem:s0+$0x14150]  }
0x3e: {  	v14 =	vld [tilespmem:s0+$0x18100]  }
0x3f: {  	v19 =	vld [tilespmem:s0+$0x18110]  }
0x40: {  	v13 =	vld [tilespmem:s0+$0x18120]  }
0x41: {  	v12 =	vld [tilespmem:s0+$0x18130]  }
0x42: {  	v11 =	vld [tilespmem:s0+$0x18140]  }
0x43: {  	v10 =	vld [tilespmem:s0+$0x18150]  }
0x44: {  	v9 =	vld [tilespmem:s0+$0x18160]  }
0x45: {  	v8 =	vld [tilespmem:s0+$0x18170]  }
0x46: {  	v20 =	vld [tilespmem:s0+$0x4100]  }
0x47: {  	v21 =	vld [tilespmem:s0+$0x4110]  }
0x48: {  	v18 =	vld [tilespmem:s0+$0x4120]  }
0x49: {  	v17 =	vld [tilespmem:s0+$0x4130]  }
0x4a: {  	v16 =	vld [tilespmem:s0+$0x4140]  }
0x4b: {  	v15 =	vld [tilespmem:s0+$0x4150];
	v20 =	vmul.f32 v14, v20  }
0x4c: {  	s1 =	simm.s32 $0x200;
	v19 =	vmul.f32 v19, v21;
	v14 =	vld [tilespmem:s0+$0x4160]  }
.LBB2_2:
0x4d: {  	p0 =	sne.s32 s1, $0xFE00;
	v7 =	vadd.f32 v7, v20;
	v13 =	vmul.f32 v13, v18;
	v18 =	vld [tilespmem:s0+$0x4170]  }
0x4e: {  	v6 =	vadd.f32 v6, v19;
	v12 =	vmul.f32 v12, v17;
	v17 =	vld [tilespmem:s0+$0x14160]  }
0x4f: {  	s3 =	sshra.s32 s1, $0x2;
	[tilespmem:s0+$0x4100] =	vst v7;
	v5 =	vadd.f32 v5, v13;
	v11 =	vmul.f32 v11, v16;
	v13 =	vld [tilespmem:s0+$0x14170]  }
0x50: {  	v7 =	vld [tilespmem:s3+$0x14100];
	[tilespmem:s0+$0x4110] =	vst v6;
	v4 =	vadd.f32 v4, v12;
	v10 =	vmul.f32 v10, v15  }
0x51: {  	v6 =	vld [tilespmem:s3+$0x14110];
	[tilespmem:s0+$0x4120] =	vst v5;
	v3 =	vadd.f32 v3, v11;
	v9 =	vmul.f32 v9, v14  }
0x52: {  	v5 =	vld [tilespmem:s3+$0x14120];
	[tilespmem:s0+$0x4130] =	vst v4;
	v2 =	vadd.f32 v2, v10;
	v8 =	vmul.f32 v8, v18  }
0x53: {  	v4 =	vld [tilespmem:s3+$0x14130];
	[tilespmem:s0+$0x4140] =	vst v3;
	v9 =	vadd.f32 v17, v9  }
0x54: {  	v3 =	vld [tilespmem:s3+$0x14140];
	[tilespmem:s0+$0x4150] =	vst v2;
	v8 =	vadd.f32 v13, v8  }
0x55: {  	v2 =	vld [tilespmem:s3+$0x14150];
	[tilespmem:s0+$0x4160] =	vst v9  }
0x56: {  	v14 =	vld [tilespmem:s3+$0x18100];
	[tilespmem:s0+$0x4170] =	vst v8;
	s0 =	smov.u32 s3  }
0x57: {  	v19 =	vld [tilespmem:s0+$0x18110]  }
0x58: {  	v13 =	vld [tilespmem:s0+$0x18120]  }
0x59: {  	v12 =	vld [tilespmem:s0+$0x18130]  }
0x5a: {  	v11 =	vld [tilespmem:s0+$0x18140]  }
0x5b: {  	v10 =	vld [tilespmem:s0+$0x18150]  }
0x5c: {  	v9 =	vld [tilespmem:s0+$0x18160]  }
0x5d: {  	v8 =	vld [tilespmem:s0+$0x18170]  }
0x5e: {  	v15 =	vld [tilespmem:s0+$0x4100]  }
0x5f: {  	v21 =	vld [tilespmem:s0+$0x4110]  }
.Ltmp2:
0x60: {  	v18 =	vld [tilespmem:s0+$0x4120];
	(pc) =	sbr.rel @p0 .LBB2_2-.Ltmp2, $4  }
0x61: {  	v17 =	vld [tilespmem:s0+$0x4130]  }
0x62: {  	v16 =	vld [tilespmem:s0+$0x4140]  }
0x63: {  	v20 =	vmul.f32 v14, v15;
	v15 =	vld [tilespmem:s0+$0x4150]  }
0x64: {  	s1 =	sadd.s32 $0x200, s1;
	v19 =	vmul.f32 v19, v21;
	v14 =	vld [tilespmem:s0+$0x4160]  }
0x65: {  	v7 =	vadd.f32 v7, v20;
	v20 =	vld [tilespmem:s0+$0x4170];
	v13 =	vmul.f32 v13, v18  }
0x66: {  	v18 =	vld [tilespmem:s0+$0x14160];
	v6 =	vadd.f32 v6, v19;
	v12 =	vmul.f32 v12, v17  }
0x67: {  	[tilespmem:s0+$0x4100] =	vst v7;
	v5 =	vadd.f32 v5, v13;
	v7 =	vmul.f32 v11, v16;
	v11 =	vld [tilespmem:s0+$0x14170]  }
0x68: {  	[tilespmem:s0+$0x4110] =	vst v6;
	v4 =	vadd.f32 v4, v12;
	v6 =	vmul.f32 v10, v15  }
0x69: {  	[tilespmem:s0+$0x4120] =	vst v5;
	v3 =	vadd.f32 v3, v7;
	v5 =	vmul.f32 v9, v14  }
0x6a: {  	[tilespmem:s0+$0x4130] =	vst v4;
	v2 =	vadd.f32 v2, v6;
	v4 =	vmul.f32 v8, v20  }
0x6b: {  	[tilespmem:s0+$0x4140] =	vst v3;
	v3 =	vadd.f32 v18, v5  }
0x6c: {  	[tilespmem:s0+$0x4150] =	vst v2;
	v2 =	vadd.f32 v11, v4  }
0x6d: {  	[tilespmem:s0+$0x4160] =	vst v3  }
0x6e: {  	s30 =	simm.s32 $0x0;
	s31 =	rddreg [dreg:$0x4];
	[tilespmem:s0+$0x4170] =	vst v2  }
0x6f: {  	[tilespmem:s25], [sflag:$0x3] =	stream.indirect.gather [hbm4b:s31+s16], $0x80, s30, s16, $0xb8;
	[tilespmem:$0x1C100] =	vst v63  }
0x70: {  	_ = 	snop  }
0x71: {  	[tilespmem:s22], [sflag:$0x3] =	stream.indirect.gather [hbm4b:s6+s16], $0x80, s16, s16, $0xb8;
	[tilespmem:$0x1C100] =	vst v63  }
0x72: {  	_ = 	snop  }
0x73: {  	[tilespmem:s23], [sflag:$0x3] =	stream.indirect.gather [hbm4b:s8+s16], $0x80, s16, s16, $0xb8;
	[tilespmem:$0x1C100] =	vst v63  }
0x74: {  	_ =	swait.ge [sflag:s24], $0x4000  }
0x75: {  	[sflag:s24] =	ssyncset.done $0x0  }
0x76: {  	[sflag:s24] =	ssyncadd.s32 $0xFFFFC000  }
0x77: {  	_ =	swait.ge [sflag:s24], $0x4000  }
0x78: {  	[sflag:s24] =	ssyncset.done $0x0  }
0x79: {  	[sflag:s24] =	ssyncadd.s32 $0xFFFFC000  }
0x7a: {  	_ =	swait.ge [sflag:s24], $0x4000  }
0x7b: {  	[sflag:s24] =	ssyncset.done $0x0  }
0x7c: {  	s0 =	simm.s32 $0x0;
	[sflag:s24] =	ssyncadd.s32 $0xFFFFC000  }
0x7d: {  	v9 =	vld [tilespmem:s0+$0x14100]  }
0x7e: {  	v10 =	vld [tilespmem:s0+$0x14110]  }
0x7f: {  	v12 =	vld [tilespmem:s0+$0x14120]  }
0x80: {  	v13 =	vld [tilespmem:s0+$0x14130]  }
0x81: {  	v22 =	vld [tilespmem:s0+$0x14140]  }
0x82: {  	v6 =	vld [tilespmem:s0+$0x14150]  }
0x83: {  	v2 =	vld [tilespmem:s0+$0x14160]  }
0x84: {  	v14 =	vld [tilespmem:s0+$0x18100]  }
0x85: {  	v21 =	vld [tilespmem:s0+$0x18110]  }
0x86: {  	v11 =	vld [tilespmem:s0+$0x18120]  }
0x87: {  	v8 =	vld [tilespmem:s0+$0x18130]  }
0x88: {  	v7 =	vld [tilespmem:s0+$0x18140]  }
0x89: {  	v5 =	vld [tilespmem:s0+$0x18150]  }
0x8a: {  	v4 =	vld [tilespmem:s0+$0x18160]  }
0x8b: {  	v3 =	vld [tilespmem:s0+$0x18170]  }
0x8c: {  	v20 =	vld [tilespmem:s0+$0x8100]  }
0x8d: {  	v19 =	vld [tilespmem:s0+$0x8110]  }
0x8e: {  	v17 =	vld [tilespmem:s0+$0x8120]  }
0x8f: {  	v16 =	vld [tilespmem:s0+$0x8130];
	v18 =	vand.u32 $0x7FFFFFFF, v9;
	v15 =	vand.u32 $0x7FFFFFFF, v10  }
0x90: {  	v9 =	vand.u32 $0x7FFFFFFF, v14;
	v12 =	vand.u32 $0x7FFFFFFF, v12;
	v10 =	vand.u32 $0x7FFFFFFF, v13;
	v14 =	vld [tilespmem:s0+$0x8140]  }
0x91: {  	s1 =	simm.s32 $0x200;
	v21 =	vand.u32 $0x7FFFFFFF, v21;
	v13 =	vld [tilespmem:s0+$0x8150];
	v20 =	vmul.f32 v9, v20;
	v9 =	vand.u32 $0x7FFFFFFF, v22  }
.LBB2_4:
0x92: {  	p0 =	sne.s32 s1, $0xFE00;
	v19 =	vmul.f32 v21, v19;
	v11 =	vand.u32 $0x7FFFFFFF, v11;
	v6 =	vand.u32 $0x7FFFFFFF, v6;
	v21 =	vld [tilespmem:s0+$0x8160]  }
0x93: {  	v8 =	vand.u32 $0x7FFFFFFF, v8;
	v18 =	vadd.f32 v18, v20;
	v11 =	vmul.f32 v11, v17;
	v17 =	vld [tilespmem:s0+$0x8170]  }
0x94: {  	s3 =	sshra.s32 s1, $0x2;
	v7 =	vand.u32 $0x7FFFFFFF, v7;
	v15 =	vadd.f32 v15, v19;
	v8 =	vmul.f32 v8, v16;
	v16 =	vld [tilespmem:s0+$0x14170]  }
0x95: {  	v5 =	vand.u32 $0x7FFFFFFF, v5;
	v20 =	vld [tilespmem:s3+$0x14100];
	[tilespmem:s0+$0x8100] =	vst v18;
	v11 =	vadd.f32 v12, v11;
	v7 =	vmul.f32 v7, v14  }
0x96: {  	v4 =	vand.u32 $0x7FFFFFFF, v4;
	v12 =	vld [tilespmem:s3+$0x14110];
	[tilespmem:s0+$0x8110] =	vst v15;
	v8 =	vadd.f32 v10, v8;
	v5 =	vmul.f32 v5, v13  }
0x97: {  	v3 =	vand.u32 $0x7FFFFFFF, v3;
	v10 =	vld [tilespmem:s3+$0x14120];
	[tilespmem:s0+$0x8120] =	vst v11;
	v7 =	vadd.f32 v9, v7;
	v4 =	vmul.f32 v4, v21  }
0x98: {  	v2 =	vand.u32 $0x7FFFFFFF, v2;
	v9 =	vld [tilespmem:s3+$0x14130];
	[tilespmem:s0+$0x8130] =	vst v8;
	v5 =	vadd.f32 v6, v5;
	v3 =	vmul.f32 v3, v17  }
0x99: {  	v13 =	vld [tilespmem:s3+$0x14140];
	[tilespmem:s0+$0x8140] =	vst v7;
	v4 =	vadd.f32 v2, v4;
	v2 =	vand.u32 $0x7FFFFFFF, v16  }
0x9a: {  	v6 =	vld [tilespmem:s3+$0x14150];
	[tilespmem:s0+$0x8150] =	vst v5;
	v3 =	vadd.f32 v2, v3  }
0x9b: {  	v2 =	vld [tilespmem:s3+$0x14160];
	[tilespmem:s0+$0x8160] =	vst v4  }
0x9c: {  	v14 =	vld [tilespmem:s3+$0x18100];
	[tilespmem:s0+$0x8170] =	vst v3;
	s0 =	smov.u32 s3  }
0x9d: {  	v21 =	vld [tilespmem:s0+$0x18110]  }
0x9e: {  	v11 =	vld [tilespmem:s0+$0x18120]  }
0x9f: {  	v8 =	vld [tilespmem:s0+$0x18130]  }
0xa0: {  	v7 =	vld [tilespmem:s0+$0x18140]  }
0xa1: {  	v5 =	vld [tilespmem:s0+$0x18150]  }
0xa2: {  	v4 =	vld [tilespmem:s0+$0x18160]  }
0xa3: {  	v3 =	vld [tilespmem:s0+$0x18170]  }
0xa4: {  	v22 =	vld [tilespmem:s0+$0x8100]  }
.Ltmp3:
0xa5: {  	v19 =	vld [tilespmem:s0+$0x8110];
	(pc) =	sbr.rel @p0 .LBB2_4-.Ltmp3, $4  }
0xa6: {  	v17 =	vld [tilespmem:s0+$0x8120]  }
0xa7: {  	v18 =	vand.u32 $0x7FFFFFFF, v20;
	v15 =	vand.u32 $0x7FFFFFFF, v12;
	v16 =	vld [tilespmem:s0+$0x8130]  }
0xa8: {  	v12 =	vand.u32 $0x7FFFFFFF, v10;
	v10 =	vand.u32 $0x7FFFFFFF, v9;
	v20 =	vand.u32 $0x7FFFFFFF, v14;
	v14 =	vld [tilespmem:s0+$0x8140]  }
0xa9: {  	s1 =	sadd.s32 $0x200, s1;
	v9 =	vand.u32 $0x7FFFFFFF, v13;
	v21 =	vand.u32 $0x7FFFFFFF, v21;
	v20 =	vmul.f32 v20, v22;
	v13 =	vld [tilespmem:s0+$0x8150]  }
0xaa: {  	v19 =	vmul.f32 v21, v19;
	v11 =	vand.u32 $0x7FFFFFFF, v11;
	v6 =	vand.u32 $0x7FFFFFFF, v6;
	v60 =	vld [tilespmem:s0+$0x8160]  }
0xab: {  	v8 =	vand.u32 $0x7FFFFFFF, v8;
	v61 =	vld [tilespmem:s0+$0x8170];
	v18 =	vadd.f32 v18, v20;
	v11 =	vmul.f32 v11, v17  }
0xac: {  	v7 =	vand.u32 $0x7FFFFFFF, v7;
	v62 =	vld [tilespmem:s0+$0x14170];
	v15 =	vadd.f32 v15, v19;
	v8 =	vmul.f32 v8, v16  }
0xad: {  	v5 =	vand.u32 $0x7FFFFFFF, v5;
	[tilespmem:s0+$0x8100] =	vst v18;
	v11 =	vadd.f32 v12, v11;
	v7 =	vmul.f32 v7, v14  }
0xae: {  	v4 =	vand.u32 $0x7FFFFFFF, v4;
	[tilespmem:s0+$0x8110] =	vst v15;
	v8 =	vadd.f32 v10, v8;
	v5 =	vmul.f32 v5, v13  }
0xaf: {  	v3 =	vand.u32 $0x7FFFFFFF, v3;
	[tilespmem:s0+$0x8120] =	vst v11;
	v7 =	vadd.f32 v9, v7;
	v4 =	vmul.f32 v4, v60  }
0xb0: {  	v2 =	vand.u32 $0x7FFFFFFF, v2;
	v3 =	vmul.f32 v3, v61;
	[tilespmem:s0+$0x8130] =	vst v8;
	v5 =	vadd.f32 v6, v5  }
0xb1: {  	v63 =	vand.u32 $0x7FFFFFFF, v62;
	[tilespmem:s0+$0x8140] =	vst v7;
	v2 =	vadd.f32 v2, v4  }
0xb2: {  	v3 =	vadd.f32 v63, v3;
	[tilespmem:s0+$0x8150] =	vst v5  }
0xb3: {  	[tilespmem:s0+$0x8160] =	vst v2  }
0xb4: {  	[tilespmem:s0+$0x8170] =	vst v3  }
.LBB2_6:
0xb5: {  	_ =	swait.ge [sflag:s26], $0x4000  }
0xb6: {  	[sflag:s26] =	ssyncset.done $0x0  }
0xb7: {  	s31 =	sshll.u32 s30, $0x8;
	[sflag:s26] =	ssyncadd.s32 $0xFFFFC000  }
0xb8: {  	v2 =	vld [tilespmem:s31+$0x4100]  }
0xb9: {  	v3 =	vld [tilespmem:s31+$0x4110]  }
0xba: {  	v4 =	vld [tilespmem:s31+$0x4120]  }
0xbb: {  	v5 =	vld [tilespmem:s31+$0x4130]  }
0xbc: {  	v6 =	vld [tilespmem:s31+$0x4140]  }
0xbd: {  	v7 =	vld [tilespmem:s31+$0x4150]  }
0xbe: {  	v8 =	vld [tilespmem:s31+$0x4160]  }
0xbf: {  	v11 =	vld [tilespmem:s31+$0x4170]  }
0xc0: {  	v12 =	vld [tilespmem:s31+$0x8100]  }
0xc1: {  	v13 =	vld [tilespmem:s31+$0x8110]  }
0xc2: {  	v14 =	vld [tilespmem:s31+$0x8120]  }
0xc3: {  	v15 =	vld [tilespmem:s31+$0x8130]  }
0xc4: {  	v16 =	vld [tilespmem:s31+$0x8140]  }
0xc5: {  	v17 =	vld [tilespmem:s31+$0x8150]  }
0xc6: {  	v18 =	vld [tilespmem:s31+$0x8160]  }
0xc7: {  	s0 =	simm.s32 $0xC200;
	v19 =	vld [tilespmem:s31+$0x8170]  }
0xc8: {  	v20 =	vld [tilespmem:s0+$0xE0]  }
0xc9: {  	v21 =	vld [tilespmem:s0+$0xF0]  }
0xca: {  	v22 =	vld [tilespmem:s0+$0x80]  }
0xcb: {  	v23 =	vld [tilespmem:s0+$0x90]  }
0xcc: {  	v24 =	vld [tilespmem:s0+$0xA0]  }
0xcd: {  	v25 =	vld [tilespmem:s0+$0xB0]  }
0xce: {  	v26 =	vld [tilespmem:s0+$0xC0]  }
0xcf: {  	v27 =	vld [tilespmem:s0+$0xD0]  }
0xd0: {  	v28 =	vld [tilespmem:s0+$0xFFFFFF10]  }
0xd1: {  	v29 =	vld [tilespmem:s0+$0xFFFFFF80]  }
0xd2: {  	v48 =	vld [tilespmem:s0+$0xFFFFFFE0]  }
0xd3: {  	v51 =	vld [tilespmem:s0+$0xFFFFFFF0]  }
0xd4: {  	v9 =	vpack.i.f32.bf16 v5, v4;
	v4 =	vpack.i.f32.bf16 v11, v8;
	v11 =	vld [tilespmem:s0+$0xFFFFFF90]  }
0xd5: {  	v8 =	vpack.i.f32.bf16 v13, v12;
	v13 =	vld [tilespmem:s0+$0x0]  }
0xd6: {  	s5 =	simm.s32 $0x3;
	v7 =	vpack.i.f32.bf16 v7, v6;
	v6 =	vpack.i.f32.bf16 v15, v14;
	v15 =	vld [tilespmem:s0+$0x10]  }
0xd7: {  	v55 =	vmov s5;
	v10 =	vpack.i.f32.bf16 v3, v2;
	v5 =	vpack.i.f32.bf16 v17, v16;
	v16 =	vld [tilespmem:s0+$0xFFFFFF00]  }
0xd8: {  	v2 =	vpack.i.f32.bf16 v23, v22;
	v3 =	vpack.i.f32.bf16 v19, v18;
	v19 =	vpack.i.f32.bf16 v21, v20;
	v20 =	vld [tilespmem:s0+$0xFFFFFF20]  }
0xd9: {  	v14 =	vpack.i.f32.bf16 v25, v24;
	v18 =	vpack.i.f32.bf16 v27, v26;
	v21 =	vld [tilespmem:s0+$0xFFFFFF30];
	v12 =	vsub.bf16 v2, v10  }
0xda: {  	v24 =	vpack.i.f32.bf16 v51, v48;
	v2 =	vmov s31;
	v14 =	vsub.bf16 v14, v9  }
0xdb: {  	v18 =	vsub.bf16 v18, v7;
	v19 =	vsub.bf16 v19, v4;
	v12 =	vand.u32 $0x7FFF7FFF, v12  }
0xdc: {  	v14 =	vand.u32 $0x7FFF7FFF, v14;
	v17 =	vsub.bf16 v12, v8;
	v12 =	vadd.bf16 v0, v12  }
0xdd: {  	v22 =	vsub.bf16 v14, v6;
	v11 =	vpack.i.f32.bf16 v11, v29;
	v16 =	vpack.i.f32.bf16 v28, v16  }
0xde: {  	v13 =	vpack.i.f32.bf16 v15, v13;
	v20 =	vpack.i.f32.bf16 v21, v20;
	v12 =	vadd.bf16 v14, v12  }
0xdf: {  	v17 =	vmax.bf16 v17, v0;
	v16 =	vsub.bf16 v16, v10;
	v11 =	vsub.bf16 v11, v10  }
0xe0: {  	v14 =	vand.u32 $0x7FFF7FFF, v18;
	v13 =	vsub.bf16 v13, v10;
	v20 =	vsub.bf16 v20, v9  }
0xe1: {  	v22 =	vmax.bf16 v22, v0;
	v17 =	vadd.bf16 v0, v17;
	v41 =	vsub.bf16 v14, v5  }
0xe2: {  	v23 =	vld [tilespmem:s0+$0xFFFFFFA0];
	v12 =	vadd.bf16 v14, v12;
	v14 =	vand.u32 $0x7FFF7FFF, v19;
	v16 =	vand.u32 $0x7FFF7FFF, v16  }
0xe3: {  	v18 =	vld [tilespmem:s0+$0xFFFFFFB0];
	v11 =	vand.u32 $0x7FFF7FFF, v11;
	v17 =	vadd.bf16 v22, v17;
	v43 =	vsub.bf16 v14, v3  }
0xe4: {  	v13 =	vand.u32 $0x7FFF7FFF, v13;
	v47 =	vsub.bf16 v16, v8;
	v49 =	vsub.bf16 v11, v8  }
0xe5: {  	v42 =	vld [tilespmem:s0+$0x20];
	v29 =	vand.u32 $0x7F, v55;
	v50 =	vsub.bf16 v13, v8;
	v16 =	vadd.bf16 v0, v16  }
0xe6: {  	v19 =	vld [tilespmem:s0+$0x30];
	v20 =	vand.u32 $0x7FFF7FFF, v20;
	v11 =	vadd.bf16 v0, v11;
	v13 =	vadd.bf16 v0, v13  }
0xe7: {  	v44 =	vld [tilespmem:s0+$0xFFFFFF40];
	v22 =	vmax.bf16 v41, v0;
	v53 =	vsub.bf16 v20, v6;
	v12 =	vadd.bf16 v14, v12  }
0xe8: {  	v14 =	vld [tilespmem:s0+$0xFFFFFF50];
	v15 =	vadd.bf16 v22, v17;
	v17 =	vmax.bf16 v43, v0;
	v18 =	vpack.i.f32.bf16 v18, v23  }
0xe9: {  	v46 =	vld [tilespmem:s0+$0xFFFFFF70];
	v26 =	vmax.bf16 v49, v0;
	v52 =	vmax.bf16 v50, v0;
	v16 =	vadd.bf16 v20, v16  }
0xea: {  	v23 =	vld [tilespmem:s0+$0xFFFFFF60];
	v20 =	vsub.bf16 v24, v4;
	v12 =	vmul.bf16 v1, v12;
	v18 =	vsub.bf16 v18, v9  }
0xeb: {  	v26 =	vadd.bf16 v0, v26;
	v15 =	vadd.bf16 v17, v15;
	v19 =	vpack.i.f32.bf16 v19, v42  }
0xec: {  	v29 =	vor.u32 v2, v29;
	v22 =	vld [tilespmem:s0+$0xFFFFFFC0];
	v27 =	vadd.bf16 v0, v52;
	v19 =	vsub.bf16 v19, v9  }
0xed: {  	v17 =	vld [tilespmem:s0+$0xFFFFFFD0];
	v18 =	vand.u32 $0x7FFF7FFF, v18;
	v12 =	vadd.bf16 v15, v12;
	v14 =	vpack.i.f32.bf16 v14, v44  }
0xee: {  	v21 =	vld [tilespmem:s0+$0x40];
	v54 =	vsub.bf16 v18, v6;
	v11 =	vadd.bf16 v18, v11;
	v19 =	vand.u32 $0x7FFF7FFF, v19  }
0xef: {  	v15 =	vld [tilespmem:s0+$0x50];
	v14 =	vsub.bf16 v14, v7;
	v23 =	vpack.i.f32.bf16 v46, v23;
	v45 =	vunpack.i.u.bf16.f32 v12  }
0xf0: {  	v12 =	vunpack.i.l.bf16.f32 v12;
	v56 =	vsub.bf16 v19, v6;
	v13 =	vadd.bf16 v19, v13  }
0xf1: {  	v19 =	vsub.bf16 v23, v4;
	v57 =	vmax.bf16 v54, v0;
	v12 =	vadd.f32 v12, v45  }
0xf2: {  	v30 =	vld [tilespmem:s0+$0x70];
	v17 =	vpack.i.f32.bf16 v17, v22;
	v14 =	vand.u32 $0x7FFF7FFF, v14;
	v24 =	vadd.bf16 v57, v26  }
0xf3: {  	v20 =	vand.u32 $0x7FFF7FFF, v20;
	v22 =	vld [tilespmem:s0+$0x60];
	v17 =	vsub.bf16 v17, v7;
	v58 =	vsub.bf16 v14, v5  }
0xf4: {  	v60 =	vmax.bf16 v56, v0;
	v12 =	vmul.f32 $9.800000190e-01, v12;
	v15 =	vpack.i.f32.bf16 v15, v21  }
0xf5: {  	v21 =	vmax.bf16 v47, v0;
	v61 =	vadd.bf16 v60, v27;
	v15 =	vsub.bf16 v15, v7  }
0xf6: {  	v21 =	vadd.bf16 v0, v21;
	v17 =	vand.u32 $0x7FFF7FFF, v17;
	v12 =	vsub.f32 $1.500000000e+00, v12  }
0xf7: {  	v23 =	vmax.bf16 v53, v0;
	v59 =	vsub.bf16 v17, v5;
	v11 =	vadd.bf16 v17, v11  }
0xf8: {  	v22 =	vpack.i.f32.bf16 v30, v22;
	v15 =	vand.u32 $0x7FFF7FFF, v15;
	v21 =	vadd.bf16 v23, v21  }
0xf9: {  	v19 =	vand.u32 $0x7FFF7FFF, v19;
	v22 =	vsub.bf16 v22, v4;
	v23 =	vsub.bf16 v15, v5  }
0xfa: {  	(xrf2) =	vadd.scan.msk.f32 $0xffff, v12;
	v12 =	vadd.bf16 v14, v16;
	v16 =	vmax.bf16 v58, v0;
	v13 =	vadd.bf16 v15, v13  }
0xfb: {  	v17 =	vmax.bf16 v59, v0;
	v15 =	vsub.bf16 v19, v3;
	v11 =	vadd.bf16 v20, v11  }
0xfc: {  	v18 =	vbroadcast v29, $0x0;
	v16 =	vadd.bf16 v16, v21;
	v17 =	vadd.bf16 v17, v24  }
0xfd: {  	v14 =	vand.u32 $0x7FFF7FFF, v22;
	v22 =	vsub.bf16 v20, v3;
	v23 =	vmax.bf16 v23, v0  }
0xfe: {  	s7 =	simm.s32 $0x0;
	v15 =	vmax.bf16 v15, v0;
	v12 =	vadd.bf16 v19, v12;
	v62 =	vsub.bf16 v14, v3  }
0xff: {  	v21 =	vmov s7;
	v23 =	vadd.bf16 v23, v61;
	v16 =	vadd.bf16 v15, v16  }
0x100: {  	v13 =	vadd.bf16 v14, v13;
	v19 =	vmax.bf16 v22, v0;
	v12 =	vmul.bf16 v1, v12  }
0x101: {  	s0 =	simm.s32 $0xC400;
	v15 =	vmax.bf16 v62, v0;
	v17 =	vadd.bf16 v19, v17;
	v19 =	vand.u32 $0x7C, v21  }
0x102: {  	s1 =	simm.s32 $0x1;
	s3 =	simm.s32 $0x2;
	v14 =	vld [tilespmem:s0+$0xE0];
	v21 =	vmul.bf16 v1, v11;
	v13 =	vmul.bf16 v1, v13;
	v20 =	vadd.bf16 v15, v23  }
0x103: {  	v11 =	vmov s3;
	v15 =	vld [tilespmem:s0+$0xF0];
	v22 =	vadd.bf16 v16, v12;
	v23 =	vmov s1  }
0x104: {  	v16 =	vld [tilespmem:s0+$0x80];
	v12 =	vor.u32 v2, v19;
	v19 =	vadd.bf16 v17, v21;
	v17 =	vadd.bf16 v20, v13;
	v63, _, _ =	vpop (xrf2)  }
0x105: {  	s7 =	simm.s32 $0x4;
	s3 =	sshll.u32 s30, $0x1;
	s1 =	simm.s32 $0x8;
	v20 =	vunpack.i.u.bf16.f32 v22;
	v21 =	vunpack.i.l.bf16.f32 v22;
	v13 =	vand.u32 $0x7D, v23;
	[tilespmem:v18+s22+$0x0] =	vst.idx.msk vm0, v63;
	v18 =	vld [tilespmem:s0+$0x90]  }
.LBB2_7:
0x106: {  	p0 =	slt.u32 s1, $0x7C;
	v22 =	vld [tilespmem:s0+$0xA0];
	v23 =	vunpack.i.u.bf16.f32 v19;
	v19 =	vunpack.i.l.bf16.f32 v19;
	v24 =	vunpack.i.u.bf16.f32 v17  }
0x107: {  	v20 =	vadd.f32 v21, v20;
	v17 =	vunpack.i.l.bf16.f32 v17;
	v25 =	vld [tilespmem:s0+$0xB0];
	v19 =	vadd.f32 v19, v23  }
0x108: {  	v12 =	vbroadcast v12, $0x0;
	v11 =	vand.u32 $0x7E, v11;
	v17 =	vadd.f32 v17, v24;
	v21 =	vld [tilespmem:s0+$0xC0]  }
0x109: {  	v13 =	vor.u32 v2, v13;
	v20 =	vmul.f32 $9.800000190e-01, v20;
	v23 =	vld [tilespmem:s0+$0xD0];
	v19 =	vmul.f32 $9.800000190e-01, v19  }
0x10a: {  	v11 =	vor.u32 v2, v11;
	v17 =	vmul.f32 $9.800000190e-01, v17;
	v24 =	vld [tilespmem:s0+$0xFFFFFF10];
	v16 =	vpack.i.f32.bf16 v18, v16  }
0x10b: {  	v13 =	vbroadcast v13, $0x0;
	v20 =	vsub.f32 $1.500000000e+00, v20;
	v18 =	vld [tilespmem:s0+$0xFFFFFF80];
	v16 =	vsub.bf16 v16, v10  }
0x10c: {  	v19 =	vsub.f32 $1.500000000e+00, v19;
	v17 =	vsub.f32 $1.500000000e+00, v17;
	v26 =	vld [tilespmem:s0+$0xFFFFFF90];
	v22 =	vpack.i.f32.bf16 v25, v22  }
0x10d: {  	v11 =	vbroadcast v11, $0x0;
	v25 =	vld [tilespmem:s0+$0x0];
	v16 =	vand.u32 $0x7FFF7FFF, v16;
	v22 =	vsub.bf16 v22, v9;
	(xrf2) =	vadd.scan.msk.f32 $0xffff, v20  }
0x10e: {  	v14 =	vpack.i.f32.bf16 v15, v14;
	v20 =	vld [tilespmem:s0+$0x10];
	v27 =	vsub.bf16 v16, v8;
	v21 =	vpack.i.f32.bf16 v23, v21  }
0x10f: {  	v16 =	vadd.bf16 v0, v16;
	v15 =	vld [tilespmem:s0+$0xFFFFFF00];
	v22 =	vand.u32 $0x7FFF7FFF, v22;
	v21 =	vsub.bf16 v21, v7  }
0x110: {  	v14 =	vsub.bf16 v14, v4;
	v23 =	vld [tilespmem:s0+$0xFFFFFF20];
	v27 =	vmax.bf16 v27, v0;
	v28 =	vsub.bf16 v22, v6;
	(xrf2) =	vadd.scan.msk.f32 $0xffff, v19  }
0x111: {  	v16 =	vadd.bf16 v22, v16;
	v19 =	vld [tilespmem:s0+$0xFFFFFF30];
	v27 =	vadd.bf16 v0, v27;
	v21 =	vand.u32 $0x7FFF7FFF, v21  }
0x112: {  	v18 =	vpack.i.f32.bf16 v26, v18;
	v22 =	vld [tilespmem:s0+$0xFFFFFFA0];
	v26 =	vmax.bf16 v28, v0;
	v28 =	vsub.bf16 v21, v5  }
0x113: {  	v14 =	vand.u32 $0x7FFF7FFF, v14;
	v16 =	vadd.bf16 v21, v16;
	v29 =	vld [tilespmem:s0+$0xFFFFFFB0];
	v26 =	vadd.bf16 v26, v27;
	(xrf2) =	vadd.scan.msk.f32 $0xffff, v17  }
0x114: {  	v15 =	vpack.i.f32.bf16 v24, v15;
	v17 =	vld [tilespmem:s0+$0x20];
	v21 =	vmax.bf16 v28, v0;
	v28 =	vsub.bf16 v14, v3  }
0x115: {  	v20 =	vpack.i.f32.bf16 v20, v25;
	v14 =	vadd.bf16 v14, v16;
	v25 =	vld [tilespmem:s0+$0x30];
	v21 =	vadd.bf16 v21, v26  }
0x116: {  	v18 =	vsub.bf16 v18, v10;
	v15 =	vsub.bf16 v15, v10;
	v16 =	vld [tilespmem:s0+$0xFFFFFF40];
	v27 =	vmax.bf16 v28, v0  }
0x117: {  	v20 =	vsub.bf16 v20, v10;
	v14 =	vmul.bf16 v1, v14;
	v26 =	vld [tilespmem:s0+$0xFFFFFF50];
	v21 =	vadd.bf16 v27, v21;
	v24, _, _ =	vpop (xrf2)  }
0x118: {  	v19 =	vpack.i.f32.bf16 v19, v23;
	v15 =	vand.u32 $0x7FFF7FFF, v15;
	v22 =	vpack.i.f32.bf16 v29, v22;
	v23 =	vld [tilespmem:s0+$0xFFFFFFC0];
	[tilespmem:v12+s22+$0x0] =	vst.idx.msk vm0, v24  }
0x119: {  	v20 =	vand.u32 $0x7FFF7FFF, v20;
	v12 =	vand.u32 $0x7FFF7FFF, v18;
	v18 =	vld [tilespmem:s0+$0xFFFFFFD0];
	v14 =	vadd.bf16 v21, v14  }
0x11a: {  	v19 =	vsub.bf16 v19, v9;
	v21 =	vsub.bf16 v22, v9;
	v17 =	vpack.i.f32.bf16 v25, v17;
	v22 =	vld [tilespmem:s0+$0x40];
	v24, _, _ =	vpop (xrf2)  }
0x11b: {  	v17 =	vsub.bf16 v17, v9;
	v25 =	vld [tilespmem:s0+$0x50];
	v27 =	vunpack.i.u.bf16.f32 v14;
	v14 =	vunpack.i.l.bf16.f32 v14;
	[tilespmem:v13+s22+$0x0] =	vst.idx.msk vm0, v24  }
0x11c: {  	v13 =	vsub.bf16 v15, v8;
	v16 =	vpack.i.f32.bf16 v26, v16;
	v24 =	vld [tilespmem:s0+$0xFFFFFF60];
	v14 =	vadd.f32 v14, v27  }
0x11d: {  	v28 =	vsub.bf16 v20, v8;
	v19 =	vand.u32 $0x7FFF7FFF, v19;
	v27 =	vsub.bf16 v12, v8;
	v26 =	vld [tilespmem:s0+$0xFFFFFF70];
	v29, _, _ =	vpop (xrf2)  }
0x11e: {  	v15 =	vadd.bf16 v0, v15;
	v18 =	vpack.i.f32.bf16 v18, v23;
	v23 =	vld [tilespmem:s0+$0xFFFFFFE0];
	v14 =	vmul.f32 $9.800000190e-01, v14;
	[tilespmem:v11+s22+$0x0] =	vst.idx.msk vm0, v29  }
0x11f: {  	v20 =	vadd.bf16 v0, v20;
	v11 =	vadd.bf16 v0, v12;
	v12 =	vand.u32 $0x7FFF7FFF, v21;
	v21 =	vld [tilespmem:s0+$0xFFFFFFF0]  }
0x120: {  	v17 =	vand.u32 $0x7FFF7FFF, v17;
	v22 =	vpack.i.f32.bf16 v25, v22;
	v25 =	vld [tilespmem:s0+$0x60];
	v14 =	vsub.f32 $1.500000000e+00, v14  }
0x121: {  	v13 =	vmax.bf16 v13, v0;
	v16 =	vsub.bf16 v16, v7;
	v18 =	vsub.bf16 v18, v7;
	v29 =	vld [tilespmem:s0+$0x70]  }
0x122: {  	v28 =	vmax.bf16 v28, v0;
	v27 =	vmax.bf16 v27, v0;
	v22 =	vsub.bf16 v22, v7;
	(xrf2) =	vadd.scan.msk.f32 $0xffff, v14  }
0x123: {  	s4 =	sadd.s32 $0x3, s7;
	v14 =	vsub.bf16 v19, v6;
	v24 =	vpack.i.f32.bf16 v26, v24;
	v26 =	vsub.bf16 v12, v6  }
0x124: {  	v30 =	vmov s4;
	v21 =	vpack.i.f32.bf16 v21, v23;
	v23 =	vsub.bf16 v17, v6  }
0x125: {  	v30 =	vand.u32 $0x7F, v30;
	v13 =	vadd.bf16 v0, v13;
	v27 =	vadd.bf16 v0, v27  }
0x126: {  	v28 =	vadd.bf16 v0, v28;
	v25 =	vpack.i.f32.bf16 v29, v25;
	v29 =	vor.u32 v2, v30  }
0x127: {  	v15 =	vadd.bf16 v19, v15;
	v11 =	vadd.bf16 v12, v11;
	v12 =	vbroadcast v29, $0x0  }
0x128: {  	v16 =	vand.u32 $0x7FFF7FFF, v16;
	v18 =	vand.u32 $0x7FFF7FFF, v18;
	v17 =	vadd.bf16 v17, v20  }
0x129: {  	v19 =	vsub.bf16 v24, v4;
	v20 =	vsub.bf16 v21, v4;
	v21 =	vand.u32 $0x7FFF7FFF, v22  }
0x12a: {  	v14 =	vmax.bf16 v14, v0;
	v22 =	vmax.bf16 v26, v0;
	v24 =	vsub.bf16 v25, v4  }
0x12b: {  	v26 =	vsub.bf16 v18, v5;
	v23 =	vmax.bf16 v23, v0;
	v25 =	vsub.bf16 v16, v5  }
0x12c: {  	v13 =	vadd.bf16 v14, v13;
	v14 =	vand.u32 $0x7FFF7FFF, v19;
	v19 =	vsub.bf16 v21, v5;
	v29, _, _ =	vpop (xrf2)  }
0x12d: {  	v22 =	vadd.bf16 v22, v27;
	v20 =	vand.u32 $0x7FFF7FFF, v20;
	v23 =	vadd.bf16 v23, v28;
	[tilespmem:v12+s22+$0x0] =	vst.idx.msk vm0, v29  }
0x12e: {  	v11 =	vadd.bf16 v18, v11;
	v12 =	vadd.bf16 v16, v15;
	v15 =	vand.u32 $0x7FFF7FFF, v24  }
0x12f: {  	v17 =	vadd.bf16 v21, v17;
	v18 =	vmax.bf16 v26, v0;
	v16 =	vmax.bf16 v25, v0  }
0x130: {  	v21 =	vsub.bf16 v14, v3;
	v19 =	vmax.bf16 v19, v0;
	v24 =	vsub.bf16 v20, v3  }
0x131: {  	v13 =	vadd.bf16 v16, v13;
	v16 =	vmov s7;
	v25 =	vsub.bf16 v15, v3  }
0x132: {  	v21 =	vmax.bf16 v21, v0;
	v18 =	vadd.bf16 v18, v22;
	v19 =	vadd.bf16 v19, v23  }
0x133: {  	v11 =	vadd.bf16 v20, v11;
	v12 =	vadd.bf16 v14, v12;
	v14 =	vmax.bf16 v24, v0  }
0x134: {  	v15 =	vadd.bf16 v15, v17;
	v13 =	vadd.bf16 v21, v13;
	v20 =	vmax.bf16 v25, v0  }
.Ltmp4:
0x135: {  	s0 =	sadd.s32 $0x200, s0;
	v17 =	vadd.bf16 v14, v18;
	v12 =	vmul.bf16 v1, v12;
	v18 =	vadd.bf16 v20, v19;
	(pc) =	sbr.rel @p0 .LBB2_7-.Ltmp4, $4  }
0x136: {  	s5 =	sadd.s32 $0x2, s7;
	s4 =	sadd.s32 $0x1, s7;
	s7 =	smov.u32 s1;
	v21 =	vmul.bf16 v1, v15;
	v19 =	vand.u32 $0x7C, v16;
	v20 =	vmul.bf16 v1, v11;
	v14 =	vld [tilespmem:s0+$0xE0]  }
0x137: {  	v22 =	vmov s4;
	v11 =	vmov s5;
	v13 =	vadd.bf16 v13, v12;
	v15 =	vld [tilespmem:s0+$0xF0]  }
0x138: {  	v12 =	vor.u32 v2, v19;
	v19 =	vadd.bf16 v17, v20;
	v17 =	vadd.bf16 v18, v21;
	v16 =	vld [tilespmem:s0+$0x80]  }
0x139: {  	s1 =	sadd.s32 $0x4, s1;
	v20 =	vunpack.i.u.bf16.f32 v13;
	v21 =	vunpack.i.l.bf16.f32 v13;
	v13 =	vand.u32 $0x7D, v22;
	v18 =	vld [tilespmem:s0+$0x90]  }
0x13a: {  	v22 =	vld [tilespmem:s0+$0xA0]  }
0x13b: {  	v23 =	vld [tilespmem:s0+$0xB0]  }
0x13c: {  	v24 =	vld [tilespmem:s0+$0xC0]  }
0x13d: {  	v25 =	vld [tilespmem:s0+$0xD0]  }
0x13e: {  	v26 =	vld [tilespmem:s0+$0xFFFFFF10]  }
0x13f: {  	v38 =	vld [tilespmem:s0+$0xFFFFFF00]  }
0x140: {  	v40 =	vld [tilespmem:s0+$0xFFFFFF30]  }
0x141: {  	v49 =	vld [tilespmem:s0+$0x40]  }
0x142: {  	v28 =	vunpack.i.u.bf16.f32 v19;
	v19 =	vunpack.i.l.bf16.f32 v19;
	v20 =	vadd.f32 v21, v20;
	v50 =	vld [tilespmem:s0+$0x50]  }
0x143: {  	v29 =	vunpack.i.u.bf16.f32 v17;
	v17 =	vunpack.i.l.bf16.f32 v17;
	v52 =	vld [tilespmem:s0+$0xFFFFFFE0];
	v19 =	vadd.f32 v19, v28  }
0x144: {  	v53 =	vld [tilespmem:s0+$0xFFFFFFF0];
	v17 =	vadd.f32 v17, v29;
	v14 =	vpack.i.f32.bf16 v15, v14;
	v20 =	vmul.f32 $9.800000190e-01, v20  }
0x145: {  	v15 =	vld [tilespmem:s0+$0xFFFFFF20];
	v14 =	vsub.bf16 v14, v4;
	v19 =	vmul.f32 $9.800000190e-01, v19;
	v16 =	vpack.i.f32.bf16 v18, v16  }
0x146: {  	v17 =	vmul.f32 $9.800000190e-01, v17;
	v20 =	vsub.f32 $1.500000000e+00, v20;
	v16 =	vsub.bf16 v16, v10  }
0x147: {  	v27 =	vld [tilespmem:s0+$0xFFFFFF80];
	v22 =	vpack.i.f32.bf16 v23, v22;
	v24 =	vpack.i.f32.bf16 v25, v24;
	v14 =	vand.u32 $0x7FFF7FFF, v14  }
0x148: {  	v18 =	vld [tilespmem:s0+$0xFFFFFF90];
	v26 =	vpack.i.f32.bf16 v26, v38;
	v25 =	vpack.i.f32.bf16 v50, v49;
	v22 =	vsub.bf16 v22, v9  }
0x149: {  	v21 =	vld [tilespmem:s0+$0x0];
	v28 =	vpack.i.f32.bf16 v53, v52;
	v24 =	vsub.bf16 v24, v7;
	v45 =	vsub.bf16 v14, v3  }
0x14a: {  	v23 =	vld [tilespmem:s0+$0x10];
	v26 =	vsub.bf16 v26, v10;
	v16 =	vand.u32 $0x7FFF7FFF, v16;
	v15 =	vpack.i.f32.bf16 v40, v15  }
0x14b: {  	v31 =	vld [tilespmem:s0+$0xFFFFFFA0];
	v39 =	vsub.bf16 v16, v8;
	v16 =	vadd.bf16 v0, v16;
	v22 =	vand.u32 $0x7FFF7FFF, v22  }
0x14c: {  	v41 =	vld [tilespmem:s0+$0xFFFFFFB0];
	v47 =	vmax.bf16 v45, v0;
	v26 =	vand.u32 $0x7FFF7FFF, v26;
	v15 =	vsub.bf16 v15, v9  }
0x14d: {  	v30 =	vsub.bf16 v22, v6;
	v18 =	vpack.i.f32.bf16 v18, v27;
	v54 =	vsub.bf16 v26, v8  }
0x14e: {  	v26 =	vadd.bf16 v0, v26;
	v29 =	vmax.bf16 v39, v0;
	v16 =	vadd.bf16 v22, v16  }
0x14f: {  	v22 =	vand.u32 $0x7FFF7FFF, v24;
	v21 =	vpack.i.f32.bf16 v23, v21;
	v29 =	vadd.bf16 v0, v29  }
0x150: {  	v32 =	vld [tilespmem:s0+$0x20];
	v18 =	vsub.bf16 v18, v10;
	v42 =	vmax.bf16 v30, v0;
	v43 =	vsub.bf16 v22, v5  }
0x151: {  	v46 =	vld [tilespmem:s0+$0xFFFFFF40];
	v24 =	vpack.i.f32.bf16 v41, v31;
	v16 =	vadd.bf16 v22, v16;
	v27 =	vadd.bf16 v42, v29  }
0x152: {  	v10 =	vsub.bf16 v21, v10;
	v24 =	vsub.bf16 v24, v9;
	v22 =	vld [tilespmem:s0+$0x30];
	v44 =	vmax.bf16 v43, v0  }
0x153: {  	v15 =	vand.u32 $0x7FFF7FFF, v15;
	v14 =	vadd.bf16 v14, v16;
	v16 =	vld [tilespmem:s0+$0xFFFFFF50];
	v23 =	vadd.bf16 v44, v27  }
0x154: {  	v48 =	vld [tilespmem:s0+$0xFFFFFFC0];
	v57 =	vsub.bf16 v15, v6;
	v15 =	vadd.bf16 v15, v26;
	v18 =	vand.u32 $0x7FFF7FFF, v18  }
0x155: {  	v10 =	vand.u32 $0x7FFF7FFF, v10;
	v14 =	vmul.bf16 v1, v14;
	v21 =	vadd.bf16 v47, v23;
	v23 =	vld [tilespmem:s0+$0xFFFFFFD0]  }
0x156: {  	v55 =	vld [tilespmem:s0+$0x60];
	v24 =	vand.u32 $0x7FFF7FFF, v24;
	v29 =	vmax.bf16 v54, v0;
	v59 =	vmax.bf16 v57, v0  }
0x157: {  	v58 =	vsub.bf16 v24, v6;
	v14 =	vadd.bf16 v21, v14;
	v21 =	vpack.i.f32.bf16 v22, v32;
	v22 =	vld [tilespmem:s0+$0xFFFFFF60]  }
0x158: {  	v29 =	vadd.bf16 v0, v29;
	v16 =	vpack.i.f32.bf16 v16, v46;
	v9 =	vsub.bf16 v21, v9;
	v21 =	vld [tilespmem:s0+$0xFFFFFF70]  }
0x159: {  	v56 =	vld [tilespmem:s0+$0x70];
	v16 =	vsub.bf16 v16, v7;
	v51 =	vunpack.i.u.bf16.f32 v14;
	v14 =	vunpack.i.l.bf16.f32 v14  }
0x15a: {  	v14 =	vadd.f32 v14, v51;
	v23 =	vpack.i.f32.bf16 v23, v48;
	v9 =	vand.u32 $0x7FFF7FFF, v9  }
0x15b: {  	v16 =	vand.u32 $0x7FFF7FFF, v16;
	v23 =	vsub.bf16 v23, v7;
	v7 =	vsub.bf16 v25, v7  }
0x15c: {  	v60 =	vmax.bf16 v58, v0;
	v6 =	vsub.bf16 v9, v6;
	v61 =	vsub.bf16 v16, v5  }
0x15d: {  	v21 =	vpack.i.f32.bf16 v21, v22;
	v22 =	vsub.bf16 v18, v8;
	v8 =	vsub.bf16 v10, v8  }
0x15e: {  	v25 =	vpack.i.f32.bf16 v56, v55;
	v18 =	vadd.bf16 v0, v18;
	v10 =	vadd.bf16 v0, v10  }
0x15f: {  	v15 =	vadd.bf16 v16, v15;
	v7 =	vand.u32 $0x7FFF7FFF, v7;
	v21 =	vsub.bf16 v21, v4  }
0x160: {  	v22 =	vmax.bf16 v22, v0;
	v18 =	vadd.bf16 v24, v18;
	v9 =	vadd.bf16 v9, v10  }
0x161: {  	v10 =	vand.u32 $0x7FFF7FFF, v23;
	v23 =	vsub.bf16 v28, v4;
	v4 =	vsub.bf16 v25, v4  }
0x162: {  	v8 =	vmax.bf16 v8, v0;
	v24 =	vadd.bf16 v59, v29;
	v22 =	vadd.bf16 v0, v22  }
0x163: {  	v6 =	vmax.bf16 v6, v0;
	v8 =	vadd.bf16 v0, v8;
	v62 =	vsub.bf16 v10, v5  }
0x164: {  	v5 =	vsub.bf16 v7, v5;
	v21 =	vand.u32 $0x7FFF7FFF, v21;
	v10 =	vadd.bf16 v10, v18  }
0x165: {  	v16 =	vmax.bf16 v61, v0;
	v7 =	vadd.bf16 v7, v9;
	v18 =	vsub.bf16 v21, v3  }
0x166: {  	v4 =	vand.u32 $0x7FFF7FFF, v4;
	v16 =	vadd.bf16 v16, v24;
	v15 =	vadd.bf16 v21, v15  }
0x167: {  	v22 =	vadd.bf16 v60, v22;
	v6 =	vadd.bf16 v6, v8;
	v8 =	vand.u32 $0x7FFF7FFF, v23  }
0x168: {  	v9 =	vmax.bf16 v62, v0;
	v5 =	vmax.bf16 v5, v0;
	v23 =	vsub.bf16 v8, v3  }
0x169: {  	v3 =	vsub.bf16 v4, v3;
	v18 =	vmax.bf16 v18, v0;
	v8 =	vadd.bf16 v8, v10  }
0x16a: {  	v4 =	vadd.bf16 v4, v7;
	v7 =	vmul.bf16 v1, v15;
	v9 =	vadd.bf16 v9, v22  }
0x16b: {  	v5 =	vadd.bf16 v5, v6;
	v10 =	vadd.bf16 v18, v16;
	v6 =	vmax.bf16 v23, v0  }
0x16c: {  	v3 =	vmax.bf16 v3, v0;
	v8 =	vmul.bf16 v1, v8;
	v6 =	vadd.bf16 v6, v9  }
0x16d: {  	v4 =	vmul.bf16 v1, v4;
	v3 =	vadd.bf16 v3, v5;
	v5 =	vadd.bf16 v10, v7  }
0x16e: {  	v7 =	vsub.f32 $1.500000000e+00, v19;
	v9 =	vmul.f32 $9.800000190e-01, v14;
	v6 =	vadd.bf16 v6, v8  }
0x16f: {  	v3 =	vadd.bf16 v3, v4;
	v4 =	vunpack.i.u.bf16.f32 v5;
	v5 =	vunpack.i.l.bf16.f32 v5  }
0x170: {  	v4 =	vadd.f32 v5, v4;
	v8 =	vunpack.i.u.bf16.f32 v6;
	v6 =	vunpack.i.l.bf16.f32 v6  }
0x171: {  	v5 =	vunpack.i.u.bf16.f32 v3;
	v3 =	vunpack.i.l.bf16.f32 v3;
	v6 =	vadd.f32 v6, v8  }
0x172: {  	(xrf2) =	vadd.scan.msk.f32 $0xffff, v20;
	v8 =	vsub.f32 $1.500000000e+00, v17;
	v3 =	vadd.f32 v3, v5;
	v4 =	vmul.f32 $9.800000190e-01, v4  }
0x173: {  	(xrf2) =	vadd.scan.msk.f32 $0xffff, v7;
	v5 =	vsub.f32 $1.500000000e+00, v9;
	v6 =	vmul.f32 $9.800000190e-01, v6  }
0x174: {  	s1 =	sadd.s32 $0x3, s7;
	v7 =	vbroadcast v12, $0x0;
	(xrf2) =	vadd.scan.msk.f32 $0xffff, v8;
	v3 =	vmul.f32 $9.800000190e-01, v3;
	v4 =	vsub.f32 $1.500000000e+00, v4  }
0x175: {  	v9 =	vmov s1;
	v8 =	vand.u32 $0x7E, v11;
	(xrf2) =	vadd.scan.msk.f32 $0xffff, v5;
	v5 =	vsub.f32 $1.500000000e+00, v6  }
0x176: {  	s1 =	sadd.s32 $0x2, s7;
	v6 =	vor.u32 v2, v13;
	v3 =	vsub.f32 $1.500000000e+00, v3;
	(xrf2) =	vadd.scan.msk.f32 $0xffff, v4;
	v4 =	vor.u32 v2, v8  }
0x177: {  	v8 =	vand.u32 $0x7F, v9;
	v9 =	vmov s1;
	v6 =	vbroadcast v6, $0x0;
	(xrf2) =	vadd.scan.msk.f32 $0xffff, v5  }
0x178: {  	s4 =	sadd.s32 $0x1, s7;
	v4 =	vbroadcast v4, $0x0;
	v5 =	vor.u32 v2, v8;
	v8 =	vmov s7;
	(xrf2) =	vadd.scan.msk.f32 $0xffff, v3  }
0x179: {  	v3 =	vbroadcast v5, $0x0;
	v5 =	vand.u32 $0x7C, v8;
	v8 =	vmov s4  }
0x17a: {  	v9 =	vand.u32 $0x7E, v9;
	v5 =	vor.u32 v2, v5;
	v8 =	vand.u32 $0x7D, v8  }
0x17b: {  	v5 =	vbroadcast v5, $0x0;
	v8 =	vor.u32 v2, v8  }
0x17c: {  	v10, _, _ =	vpop (xrf2);
	v2 =	vor.u32 v2, v9;
	v8 =	vbroadcast v8, $0x0  }
0x17d: {  	[tilespmem:v7+s22+$0x0] =	vst.idx.msk vm0, v10;
	v9, _, _ =	vpop (xrf2);
	v2 =	vbroadcast v2, $0x0  }
0x17e: {  	[tilespmem:v6+s22+$0x0] =	vst.idx.msk vm0, v9;
	v7, _, _ =	vpop (xrf2)  }
0x17f: {  	v6, _, _ =	vpop (xrf2);
	[tilespmem:v4+s22+$0x0] =	vst.idx.msk vm0, v7  }
0x180: {  	p0 =	seq.s32 s30, $0x3F;
	[tilespmem:v3+s22+$0x0] =	vst.idx.msk vm0, v6;
	v3, _, _ =	vpop (xrf2)  }
0x181: {  	s0 =	sshll.u32 @!p0 s30, $0x8;
	[tilespmem:v5+s22+$0x0] =	vst.idx.msk vm0, v3;
	v3, _, _ =	vpop (xrf2)  }
0x182: {  	s0 =	sand.u32 @!p0 $0x3FFFFF00, s0;
	[tilespmem:v8+s22+$0x0] =	vst.idx.msk vm0, v3;
	v3, _, _ =	vpop (xrf2)  }
0x183: {  	s0 =	sadd.s32 @!p0 $0x200, s0;
	s1 =	simm.s32 @!p0 $0x80;
	s4 =	simm.s32 @!p0 $0xC100;
	[tilespmem:v2+s22+$0x0] =	vst.idx.msk vm0, v3  }
0x184: {  	[tilespmem:s4], [sflag:$0x1] =	stream.indirect.gather @!p0 [hbm4b:s2+s1], $0x80, s0, s1, $0xb8;
	[tilespmem:$0x1C100] =	vst v63  }
0x185: {  	_ =	swait.ge [sflag:s28], $0x4000  }
0x186: {  	[sflag:s28] =	ssyncset.done $0x0  }
0x187: {  	s5 =	sshll.u32 s3, $0x7;
	[sflag:s28] =	ssyncadd.s32 $0xFFFFC000  }
0x188: {  	v2 =	vld [tilespmem:s5+$0x4180]  }
0x189: {  	v3 =	vld [tilespmem:s5+$0x4190]  }
0x18a: {  	v4 =	vld [tilespmem:s5+$0x41A0]  }
0x18b: {  	v5 =	vld [tilespmem:s5+$0x41B0]  }
0x18c: {  	v6 =	vld [tilespmem:s5+$0x41C0]  }
0x18d: {  	v7 =	vld [tilespmem:s5+$0x41D0]  }
0x18e: {  	v11 =	vld [tilespmem:s5+$0x41E0]  }
0x18f: {  	v12 =	vld [tilespmem:s5+$0x41F0]  }
0x190: {  	v13 =	vld [tilespmem:s5+$0x8180]  }
0x191: {  	v14 =	vld [tilespmem:s5+$0x8190]  }
0x192: {  	v15 =	vld [tilespmem:s5+$0x81A0]  }
0x193: {  	v16 =	vld [tilespmem:s5+$0x81B0]  }
0x194: {  	v17 =	vld [tilespmem:s5+$0x81C0]  }
0x195: {  	v18 =	vld [tilespmem:s5+$0x81D0]  }
0x196: {  	v19 =	vld [tilespmem:s5+$0x81E0]  }
0x197: {  	s7 =	simm.s32 $0x10200;
	v20 =	vld [tilespmem:s5+$0x81F0]  }
0x198: {  	v21 =	vld [tilespmem:s7+$0xE0]  }
0x199: {  	v22 =	vld [tilespmem:s7+$0xF0]  }
0x19a: {  	v23 =	vld [tilespmem:s7+$0x80]  }
0x19b: {  	v63 =	vld [tilespmem:s7+$0x90]  }
0x19c: {  	v33 =	vld [tilespmem:s7+$0xA0]  }
0x19d: {  	v34 =	vld [tilespmem:s7+$0xB0]  }
0x19e: {  	v35 =	vld [tilespmem:s7+$0xC0]  }
0x19f: {  	v36 =	vld [tilespmem:s7+$0xD0]  }
0x1a0: {  	v37 =	vld [tilespmem:s7+$0xFFFFFF10]  }
0x1a1: {  	v38 =	vld [tilespmem:s7+$0xFFFFFF80]  }
0x1a2: {  	v46 =	vld [tilespmem:s7+$0xFFFFFFE0]  }
0x1a3: {  	v49 =	vld [tilespmem:s7+$0xFFFFFFF0]  }
0x1a4: {  	v9 =	vpack.i.f32.bf16 v5, v4;
	v4 =	vpack.i.f32.bf16 v12, v11;
	v11 =	vld [tilespmem:s7+$0xFFFFFF90]  }
0x1a5: {  	s3 =	simm.s32 $0x3;
	v8 =	vpack.i.f32.bf16 v7, v6;
	v7 =	vpack.i.f32.bf16 v14, v13;
	v13 =	vld [tilespmem:s7+$0x0]  }
0x1a6: {  	v54 =	vmov s3;
	s1 =	sor.u32 $0x80, s5;
	s5 =	simm.s32 $0x1;
	v6 =	vpack.i.f32.bf16 v16, v15;
	v15 =	vld [tilespmem:s7+$0x10]  }
0x1a7: {  	v29 =	vand.u32 $0x7F, v54;
	v62 =	vmov s5;
	v16 =	vld [tilespmem:s7+$0xFFFFFF00]  }
0x1a8: {  	v10 =	vpack.i.f32.bf16 v3, v2;
	v2 =	vpack.i.f32.bf16 v63, v23;
	v3 =	vpack.i.f32.bf16 v20, v19;
	v20 =	vld [tilespmem:s7+$0xFFFFFF20]  }
0x1a9: {  	v14 =	vpack.i.f32.bf16 v34, v33;
	v19 =	vpack.i.f32.bf16 v22, v21;
	v21 =	vld [tilespmem:s7+$0xFFFFFF30];
	v12 =	vsub.bf16 v2, v10  }
0x1aa: {  	v5 =	vpack.i.f32.bf16 v18, v17;
	v18 =	vpack.i.f32.bf16 v36, v35;
	v14 =	vsub.bf16 v14, v9  }
0x1ab: {  	v24 =	vpack.i.f32.bf16 v49, v46;
	v18 =	vsub.bf16 v18, v8;
	v12 =	vand.u32 $0x7FFF7FFF, v12  }
0x1ac: {  	v19 =	vsub.bf16 v19, v4;
	v14 =	vand.u32 $0x7FFF7FFF, v14;
	v17 =	vsub.bf16 v12, v7  }
0x1ad: {  	v12 =	vadd.bf16 v0, v12;
	v22 =	vsub.bf16 v14, v6;
	v11 =	vpack.i.f32.bf16 v11, v38  }
0x1ae: {  	v16 =	vpack.i.f32.bf16 v37, v16;
	v13 =	vpack.i.f32.bf16 v15, v13;
	v20 =	vpack.i.f32.bf16 v21, v20  }
0x1af: {  	v17 =	vmax.bf16 v17, v0;
	v12 =	vadd.bf16 v14, v12;
	v16 =	vsub.bf16 v16, v10  }
0x1b0: {  	v14 =	vand.u32 $0x7FFF7FFF, v18;
	v11 =	vsub.bf16 v11, v10;
	v13 =	vsub.bf16 v13, v10  }
0x1b1: {  	v22 =	vmax.bf16 v22, v0;
	v20 =	vsub.bf16 v20, v9;
	v17 =	vadd.bf16 v0, v17  }
0x1b2: {  	v39 =	vsub.bf16 v14, v5;
	v12 =	vadd.bf16 v14, v12;
	v14 =	vand.u32 $0x7FFF7FFF, v19  }
0x1b3: {  	v23 =	vld [tilespmem:s7+$0xFFFFFFA0];
	v16 =	vand.u32 $0x7FFF7FFF, v16;
	v11 =	vand.u32 $0x7FFF7FFF, v11;
	v17 =	vadd.bf16 v22, v17  }
0x1b4: {  	v18 =	vld [tilespmem:s7+$0xFFFFFFB0];
	v13 =	vand.u32 $0x7FFF7FFF, v13;
	v41 =	vsub.bf16 v14, v3;
	v45 =	vsub.bf16 v16, v7  }
0x1b5: {  	v2 =	vmov s1;
	v47 =	vsub.bf16 v11, v7;
	v48 =	vsub.bf16 v13, v7  }
0x1b6: {  	v40 =	vld [tilespmem:s7+$0x20];
	v20 =	vand.u32 $0x7FFF7FFF, v20;
	v16 =	vadd.bf16 v0, v16;
	v11 =	vadd.bf16 v0, v11  }
0x1b7: {  	v19 =	vld [tilespmem:s7+$0x30];
	v22 =	vmax.bf16 v39, v0;
	v13 =	vadd.bf16 v0, v13;
	v52 =	vsub.bf16 v20, v6  }
0x1b8: {  	v42 =	vld [tilespmem:s7+$0xFFFFFF40];
	v29 =	vor.u32 v2, v29;
	v12 =	vadd.bf16 v14, v12;
	v15 =	vadd.bf16 v22, v17  }
0x1b9: {  	v14 =	vld [tilespmem:s7+$0xFFFFFF50];
	v17 =	vmax.bf16 v41, v0;
	v18 =	vpack.i.f32.bf16 v18, v23;
	v26 =	vmax.bf16 v47, v0  }
0x1ba: {  	v44 =	vld [tilespmem:s7+$0xFFFFFF70];
	v51 =	vmax.bf16 v48, v0;
	v16 =	vadd.bf16 v20, v16;
	v20 =	vsub.bf16 v24, v4  }
0x1bb: {  	v23 =	vld [tilespmem:s7+$0xFFFFFF60];
	v12 =	vmul.bf16 v1, v12;
	v18 =	vsub.bf16 v18, v9;
	v26 =	vadd.bf16 v0, v26  }
0x1bc: {  	v27 =	vadd.bf16 v0, v51;
	v15 =	vadd.bf16 v17, v15;
	v19 =	vpack.i.f32.bf16 v19, v40  }
0x1bd: {  	v22 =	vld [tilespmem:s7+$0xFFFFFFC0];
	v20 =	vand.u32 $0x7FFF7FFF, v20;
	v19 =	vsub.bf16 v19, v9;
	v18 =	vand.u32 $0x7FFF7FFF, v18  }
0x1be: {  	v17 =	vld [tilespmem:s7+$0xFFFFFFD0];
	v12 =	vadd.bf16 v15, v12;
	v14 =	vpack.i.f32.bf16 v14, v42;
	v53 =	vsub.bf16 v18, v6  }
0x1bf: {  	v21 =	vld [tilespmem:s7+$0x40];
	v11 =	vadd.bf16 v18, v11;
	v18 =	vbroadcast v29, $0x0;
	v19 =	vand.u32 $0x7FFF7FFF, v19  }
0x1c0: {  	v15 =	vld [tilespmem:s7+$0x50];
	v14 =	vsub.bf16 v14, v8;
	v23 =	vpack.i.f32.bf16 v44, v23;
	v43 =	vunpack.i.u.bf16.f32 v12  }
0x1c1: {  	v12 =	vunpack.i.l.bf16.f32 v12;
	v55 =	vsub.bf16 v19, v6;
	v13 =	vadd.bf16 v19, v13  }
0x1c2: {  	v50 =	vld [tilespmem:s7+$0x70];
	v19 =	vsub.bf16 v23, v4;
	v56 =	vmax.bf16 v53, v0;
	v12 =	vadd.f32 v12, v43  }
0x1c3: {  	v17 =	vpack.i.f32.bf16 v17, v22;
	v22 =	vld [tilespmem:s7+$0x60];
	v14 =	vand.u32 $0x7FFF7FFF, v14;
	v24 =	vadd.bf16 v56, v26  }
0x1c4: {  	v23 =	vmax.bf16 v52, v0;
	v17 =	vsub.bf16 v17, v8;
	v57 =	vsub.bf16 v14, v5  }
0x1c5: {  	v59 =	vmax.bf16 v55, v0;
	v12 =	vmul.f32 $9.800000190e-01, v12;
	v15 =	vpack.i.f32.bf16 v15, v21  }
0x1c6: {  	v21 =	vmax.bf16 v45, v0;
	v60 =	vadd.bf16 v59, v27;
	v15 =	vsub.bf16 v15, v8  }
0x1c7: {  	v21 =	vadd.bf16 v0, v21;
	v17 =	vand.u32 $0x7FFF7FFF, v17;
	v12 =	vsub.f32 $1.500000000e+00, v12  }
0x1c8: {  	v58 =	vsub.bf16 v17, v5;
	v11 =	vadd.bf16 v17, v11;
	v22 =	vpack.i.f32.bf16 v50, v22  }
0x1c9: {  	v15 =	vand.u32 $0x7FFF7FFF, v15;
	v21 =	vadd.bf16 v23, v21;
	v22 =	vsub.bf16 v22, v4  }
0x1ca: {  	v19 =	vand.u32 $0x7FFF7FFF, v19;
	v23 =	vsub.bf16 v15, v5;
	(xrf2) =	vadd.scan.msk.f32 $0xffff, v12;
	v12 =	vadd.bf16 v14, v16  }
0x1cb: {  	v16 =	vmax.bf16 v57, v0;
	v13 =	vadd.bf16 v15, v13;
	v15 =	vsub.bf16 v19, v3  }
0x1cc: {  	s4 =	simm.s32 $0x0;
	v17 =	vmax.bf16 v58, v0;
	v11 =	vadd.bf16 v20, v11;
	v16 =	vadd.bf16 v16, v21  }
0x1cd: {  	v21 =	vmov s4;
	v17 =	vadd.bf16 v17, v24;
	v14 =	vand.u32 $0x7FFF7FFF, v22  }
0x1ce: {  	v22 =	vsub.bf16 v20, v3;
	v23 =	vmax.bf16 v23, v0;
	v12 =	vadd.bf16 v19, v12  }
0x1cf: {  	v15 =	vmax.bf16 v15, v0;
	v61 =	vsub.bf16 v14, v3;
	v23 =	vadd.bf16 v23, v60  }
0x1d0: {  	v16 =	vadd.bf16 v15, v16;
	v13 =	vadd.bf16 v14, v13;
	v19 =	vmax.bf16 v22, v0  }
0x1d1: {  	s0 =	simm.s32 $0x10400;
	v12 =	vmul.bf16 v1, v12;
	v22 =	vmul.bf16 v1, v11;
	v15 =	vmax.bf16 v61, v0  }
0x1d2: {  	s7 =	simm.s32 $0x2;
	v14 =	vld [tilespmem:s0+$0xE0];
	v19 =	vadd.bf16 v19, v17;
	v13 =	vmul.bf16 v1, v13;
	v20 =	vadd.bf16 v15, v23  }
0x1d3: {  	v21 =	vand.u32 $0x7C, v21;
	v11 =	vmov s7;
	v17 =	vld [tilespmem:s0+$0x80];
	v23 =	vadd.bf16 v16, v12  }
0x1d4: {  	v15 =	vld [tilespmem:s0+$0xF0];
	v12 =	vor.u32 v2, v21;
	v19 =	vadd.bf16 v19, v22;
	v16 =	vadd.bf16 v20, v13;
	v63, _, _ =	vpop (xrf2)  }
0x1d5: {  	s3 =	simm.s32 $0x4;
	s1 =	simm.s32 $0x8;
	v20 =	vunpack.i.u.bf16.f32 v23;
	v21 =	vunpack.i.l.bf16.f32 v23;
	v13 =	vand.u32 $0x7D, v62;
	[tilespmem:v18+s22+$0x0] =	vst.idx.msk vm0, v63;
	v18 =	vld [tilespmem:s0+$0x90]  }
.LBB2_9:
0x1d6: {  	p1 =	slt.u32 s1, $0x7C;
	v22 =	vld [tilespmem:s0+$0xA0];
	v23 =	vunpack.i.u.bf16.f32 v19;
	v19 =	vunpack.i.l.bf16.f32 v19;
	v24 =	vunpack.i.u.bf16.f32 v16  }
0x1d7: {  	v20 =	vadd.f32 v21, v20;
	v16 =	vunpack.i.l.bf16.f32 v16;
	v25 =	vld [tilespmem:s0+$0xB0];
	v19 =	vadd.f32 v19, v23  }
0x1d8: {  	v12 =	vbroadcast v12, $0x0;
	v11 =	vand.u32 $0x7E, v11;
	v16 =	vadd.f32 v16, v24;
	v21 =	vld [tilespmem:s0+$0xC0]  }
0x1d9: {  	v13 =	vor.u32 v2, v13;
	v20 =	vmul.f32 $9.800000190e-01, v20;
	v23 =	vld [tilespmem:s0+$0xD0];
	v19 =	vmul.f32 $9.800000190e-01, v19  }
0x1da: {  	v11 =	vor.u32 v2, v11;
	v16 =	vmul.f32 $9.800000190e-01, v16;
	v24 =	vld [tilespmem:s0+$0xFFFFFF10];
	v17 =	vpack.i.f32.bf16 v18, v17  }
0x1db: {  	v13 =	vbroadcast v13, $0x0;
	v20 =	vsub.f32 $1.500000000e+00, v20;
	v18 =	vld [tilespmem:s0+$0xFFFFFF80];
	v17 =	vsub.bf16 v17, v10  }
0x1dc: {  	v19 =	vsub.f32 $1.500000000e+00, v19;
	v16 =	vsub.f32 $1.500000000e+00, v16;
	v26 =	vld [tilespmem:s0+$0xFFFFFF90];
	v22 =	vpack.i.f32.bf16 v25, v22  }
0x1dd: {  	v11 =	vbroadcast v11, $0x0;
	v25 =	vld [tilespmem:s0+$0x0];
	v17 =	vand.u32 $0x7FFF7FFF, v17;
	v22 =	vsub.bf16 v22, v9;
	(xrf2) =	vadd.scan.msk.f32 $0xffff, v20  }
0x1de: {  	v14 =	vpack.i.f32.bf16 v15, v14;
	v20 =	vld [tilespmem:s0+$0x10];
	v27 =	vsub.bf16 v17, v7;
	v21 =	vpack.i.f32.bf16 v23, v21  }
0x1df: {  	v17 =	vadd.bf16 v0, v17;
	v15 =	vld [tilespmem:s0+$0xFFFFFF00];
	v22 =	vand.u32 $0x7FFF7FFF, v22;
	v21 =	vsub.bf16 v21, v8  }
0x1e0: {  	v14 =	vsub.bf16 v14, v4;
	v23 =	vld [tilespmem:s0+$0xFFFFFF20];
	v27 =	vmax.bf16 v27, v0;
	v28 =	vsub.bf16 v22, v6;
	(xrf2) =	vadd.scan.msk.f32 $0xffff, v19  }
0x1e1: {  	v17 =	vadd.bf16 v22, v17;
	v19 =	vld [tilespmem:s0+$0xFFFFFF30];
	v27 =	vadd.bf16 v0, v27;
	v21 =	vand.u32 $0x7FFF7FFF, v21  }
0x1e2: {  	v18 =	vpack.i.f32.bf16 v26, v18;
	v22 =	vld [tilespmem:s0+$0xFFFFFFA0];
	v26 =	vmax.bf16 v28, v0;
	v28 =	vsub.bf16 v21, v5  }
0x1e3: {  	v14 =	vand.u32 $0x7FFF7FFF, v14;
	v17 =	vadd.bf16 v21, v17;
	v29 =	vld [tilespmem:s0+$0xFFFFFFB0];
	v26 =	vadd.bf16 v26, v27;
	(xrf2) =	vadd.scan.msk.f32 $0xffff, v16  }
0x1e4: {  	v15 =	vpack.i.f32.bf16 v24, v15;
	v16 =	vld [tilespmem:s0+$0x20];
	v21 =	vmax.bf16 v28, v0;
	v28 =	vsub.bf16 v14, v3  }
0x1e5: {  	v20 =	vpack.i.f32.bf16 v20, v25;
	v14 =	vadd.bf16 v14, v17;
	v25 =	vld [tilespmem:s0+$0x30];
	v21 =	vadd.bf16 v21, v26  }
0x1e6: {  	v18 =	vsub.bf16 v18, v10;
	v15 =	vsub.bf16 v15, v10;
	v17 =	vld [tilespmem:s0+$0xFFFFFF40];
	v27 =	vmax.bf16 v28, v0  }
0x1e7: {  	v20 =	vsub.bf16 v20, v10;
	v14 =	vmul.bf16 v1, v14;
	v26 =	vld [tilespmem:s0+$0xFFFFFF50];
	v21 =	vadd.bf16 v27, v21;
	v24, _, _ =	vpop (xrf2)  }
0x1e8: {  	v19 =	vpack.i.f32.bf16 v19, v23;
	v15 =	vand.u32 $0x7FFF7FFF, v15;
	v22 =	vpack.i.f32.bf16 v29, v22;
	v23 =	vld [tilespmem:s0+$0xFFFFFFC0];
	[tilespmem:v12+s22+$0x0] =	vst.idx.msk vm0, v24  }
0x1e9: {  	v20 =	vand.u32 $0x7FFF7FFF, v20;
	v12 =	vand.u32 $0x7FFF7FFF, v18;
	v18 =	vld [tilespmem:s0+$0xFFFFFFD0];
	v14 =	vadd.bf16 v21, v14  }
0x1ea: {  	v19 =	vsub.bf16 v19, v9;
	v21 =	vsub.bf16 v22, v9;
	v16 =	vpack.i.f32.bf16 v25, v16;
	v22 =	vld [tilespmem:s0+$0x40];
	v24, _, _ =	vpop (xrf2)  }
0x1eb: {  	v16 =	vsub.bf16 v16, v9;
	v25 =	vld [tilespmem:s0+$0x50];
	v27 =	vunpack.i.u.bf16.f32 v14;
	v14 =	vunpack.i.l.bf16.f32 v14;
	[tilespmem:v13+s22+$0x0] =	vst.idx.msk vm0, v24  }
0x1ec: {  	v13 =	vsub.bf16 v15, v7;
	v17 =	vpack.i.f32.bf16 v26, v17;
	v24 =	vld [tilespmem:s0+$0xFFFFFF60];
	v14 =	vadd.f32 v14, v27  }
0x1ed: {  	v28 =	vsub.bf16 v20, v7;
	v19 =	vand.u32 $0x7FFF7FFF, v19;
	v27 =	vsub.bf16 v12, v7;
	v26 =	vld [tilespmem:s0+$0xFFFFFF70];
	v29, _, _ =	vpop (xrf2)  }
0x1ee: {  	v15 =	vadd.bf16 v0, v15;
	v18 =	vpack.i.f32.bf16 v18, v23;
	v23 =	vld [tilespmem:s0+$0xFFFFFFE0];
	v14 =	vmul.f32 $9.800000190e-01, v14;
	[tilespmem:v11+s22+$0x0] =	vst.idx.msk vm0, v29  }
0x1ef: {  	v20 =	vadd.bf16 v0, v20;
	v11 =	vadd.bf16 v0, v12;
	v12 =	vand.u32 $0x7FFF7FFF, v21;
	v21 =	vld [tilespmem:s0+$0xFFFFFFF0]  }
0x1f0: {  	v16 =	vand.u32 $0x7FFF7FFF, v16;
	v22 =	vpack.i.f32.bf16 v25, v22;
	v25 =	vld [tilespmem:s0+$0x60];
	v14 =	vsub.f32 $1.500000000e+00, v14  }
0x1f1: {  	v13 =	vmax.bf16 v13, v0;
	v17 =	vsub.bf16 v17, v8;
	v18 =	vsub.bf16 v18, v8;
	v29 =	vld [tilespmem:s0+$0x70]  }
0x1f2: {  	v28 =	vmax.bf16 v28, v0;
	v27 =	vmax.bf16 v27, v0;
	v22 =	vsub.bf16 v22, v8;
	(xrf2) =	vadd.scan.msk.f32 $0xffff, v14  }
0x1f3: {  	s4 =	sadd.s32 $0x3, s3;
	v14 =	vsub.bf16 v19, v6;
	v24 =	vpack.i.f32.bf16 v26, v24;
	v26 =	vsub.bf16 v12, v6  }
0x1f4: {  	v30 =	vmov s4;
	v21 =	vpack.i.f32.bf16 v21, v23;
	v23 =	vsub.bf16 v16, v6  }
0x1f5: {  	v30 =	vand.u32 $0x7F, v30;
	v13 =	vadd.bf16 v0, v13;
	v27 =	vadd.bf16 v0, v27  }
0x1f6: {  	v28 =	vadd.bf16 v0, v28;
	v25 =	vpack.i.f32.bf16 v29, v25;
	v29 =	vor.u32 v2, v30  }
0x1f7: {  	v15 =	vadd.bf16 v19, v15;
	v11 =	vadd.bf16 v12, v11;
	v12 =	vbroadcast v29, $0x0  }
0x1f8: {  	v17 =	vand.u32 $0x7FFF7FFF, v17;
	v18 =	vand.u32 $0x7FFF7FFF, v18;
	v16 =	vadd.bf16 v16, v20  }
0x1f9: {  	v19 =	vsub.bf16 v24, v4;
	v20 =	vsub.bf16 v21, v4;
	v21 =	vand.u32 $0x7FFF7FFF, v22  }
0x1fa: {  	v14 =	vmax.bf16 v14, v0;
	v22 =	vmax.bf16 v26, v0;
	v24 =	vsub.bf16 v25, v4  }
0x1fb: {  	v26 =	vsub.bf16 v18, v5;
	v23 =	vmax.bf16 v23, v0;
	v25 =	vsub.bf16 v17, v5  }
0x1fc: {  	v13 =	vadd.bf16 v14, v13;
	v14 =	vand.u32 $0x7FFF7FFF, v19;
	v19 =	vsub.bf16 v21, v5;
	v29, _, _ =	vpop (xrf2)  }
0x1fd: {  	v22 =	vadd.bf16 v22, v27;
	v20 =	vand.u32 $0x7FFF7FFF, v20;
	v23 =	vadd.bf16 v23, v28;
	[tilespmem:v12+s22+$0x0] =	vst.idx.msk vm0, v29  }
0x1fe: {  	v11 =	vadd.bf16 v18, v11;
	v12 =	vadd.bf16 v17, v15;
	v15 =	vand.u32 $0x7FFF7FFF, v24  }
0x1ff: {  	v16 =	vadd.bf16 v21, v16;
	v18 =	vmax.bf16 v26, v0;
	v17 =	vmax.bf16 v25, v0  }
0x200: {  	v21 =	vsub.bf16 v14, v3;
	v19 =	vmax.bf16 v19, v0;
	v24 =	vsub.bf16 v20, v3  }
0x201: {  	v13 =	vadd.bf16 v17, v13;
	v17 =	vmov s3;
	v25 =	vsub.bf16 v15, v3  }
0x202: {  	v21 =	vmax.bf16 v21, v0;
	v18 =	vadd.bf16 v18, v22;
	v19 =	vadd.bf16 v19, v23  }
0x203: {  	v11 =	vadd.bf16 v20, v11;
	v12 =	vadd.bf16 v14, v12;
	v14 =	vmax.bf16 v24, v0  }
0x204: {  	v15 =	vadd.bf16 v15, v16;
	v13 =	vadd.bf16 v21, v13;
	v20 =	vmax.bf16 v25, v0  }
.Ltmp5:
0x205: {  	s0 =	sadd.s32 $0x200, s0;
	v16 =	vadd.bf16 v14, v18;
	v12 =	vmul.bf16 v1, v12;
	v18 =	vadd.bf16 v20, v19;
	(pc) =	sbr.rel @p1 .LBB2_9-.Ltmp5, $4  }
0x206: {  	s5 =	sadd.s32 $0x2, s3;
	s4 =	sadd.s32 $0x1, s3;
	s3 =	smov.u32 s1;
	v21 =	vmul.bf16 v1, v15;
	v19 =	vand.u32 $0x7C, v17;
	v20 =	vmul.bf16 v1, v11;
	v14 =	vld [tilespmem:s0+$0xE0]  }
0x207: {  	v22 =	vmov s4;
	v11 =	vmov s5;
	v13 =	vadd.bf16 v13, v12;
	v15 =	vld [tilespmem:s0+$0xF0]  }
0x208: {  	v12 =	vor.u32 v2, v19;
	v19 =	vadd.bf16 v16, v20;
	v16 =	vadd.bf16 v18, v21;
	v17 =	vld [tilespmem:s0+$0x80]  }
0x209: {  	s1 =	sadd.s32 $0x4, s1;
	v20 =	vunpack.i.u.bf16.f32 v13;
	v21 =	vunpack.i.l.bf16.f32 v13;
	v13 =	vand.u32 $0x7D, v22;
	v18 =	vld [tilespmem:s0+$0x90]  }
0x20a: {  	v22 =	vld [tilespmem:s0+$0xA0]  }
0x20b: {  	v23 =	vld [tilespmem:s0+$0xB0]  }
0x20c: {  	v24 =	vld [tilespmem:s0+$0xC0]  }
0x20d: {  	v25 =	vld [tilespmem:s0+$0xD0]  }
0x20e: {  	v26 =	vld [tilespmem:s0+$0xFFFFFF10]  }
0x20f: {  	v27 =	vld [tilespmem:s0+$0xFFFFFF80]  }
0x210: {  	v28 =	vld [tilespmem:s0+$0xFFFFFF90]  }
0x211: {  	v49 =	vld [tilespmem:s0+$0x0]  }
0x212: {  	v30 =	vld [tilespmem:s0+$0x10]  }
0x213: {  	v52 =	vld [tilespmem:s0+$0xFFFFFF00]  }
0x214: {  	v29 =	vunpack.i.u.bf16.f32 v19;
	v20 =	vadd.f32 v21, v20;
	v53 =	vld [tilespmem:s0+$0xFFFFFF20]  }
0x215: {  	v50 =	vunpack.i.l.bf16.f32 v19;
	v31 =	vunpack.i.u.bf16.f32 v16;
	v55 =	vld [tilespmem:s0+$0xFFFFFF30];
	v59 =	vunpack.i.l.bf16.f32 v16  }
0x216: {  	v56 =	vld [tilespmem:s0+$0xFFFFFFA0];
	v19 =	vadd.f32 v50, v29;
	v14 =	vpack.i.f32.bf16 v15, v14;
	v20 =	vmul.f32 $9.800000190e-01, v20  }
0x217: {  	v33 =	vld [tilespmem:s0+$0xFFFFFFB0];
	v16 =	vadd.f32 v59, v31;
	v14 =	vsub.bf16 v14, v4  }
0x218: {  	v40 =	vld [tilespmem:s0+$0x40];
	v19 =	vmul.f32 $9.800000190e-01, v19;
	v17 =	vpack.i.f32.bf16 v18, v17;
	v20 =	vsub.f32 $1.500000000e+00, v20  }
0x219: {  	v42 =	vld [tilespmem:s0+$0x50];
	v17 =	vsub.bf16 v17, v10;
	v51 =	vpack.i.f32.bf16 v23, v22;
	v24 =	vpack.i.f32.bf16 v25, v24  }
0x21a: {  	v44 =	vld [tilespmem:s0+$0xFFFFFF60];
	v14 =	vand.u32 $0x7FFF7FFF, v14;
	v27 =	vpack.i.f32.bf16 v28, v27;
	v22 =	vpack.i.f32.bf16 v26, v52  }
0x21b: {  	v45 =	vld [tilespmem:s0+$0xFFFFFF70];
	v18 =	vpack.i.f32.bf16 v30, v49;
	v21 =	vsub.bf16 v51, v9;
	v24 =	vsub.bf16 v24, v8  }
0x21c: {  	v58 =	vld [tilespmem:s0+$0x20];
	v15 =	vpack.i.f32.bf16 v55, v53;
	v62 =	vsub.bf16 v14, v3;
	v22 =	vsub.bf16 v22, v10  }
0x21d: {  	v35 =	vld [tilespmem:s0+$0x30];
	v43 =	vpack.i.f32.bf16 v33, v56;
	v27 =	vsub.bf16 v27, v10;
	v41 =	vsub.bf16 v18, v10  }
0x21e: {  	v15 =	vsub.bf16 v15, v9;
	v23 =	vsub.bf16 v43, v9;
	v18 =	vpack.i.f32.bf16 v42, v40  }
0x21f: {  	v60 =	vld [tilespmem:s0+$0xFFFFFF40];
	v42 =	vsub.f32 $1.500000000e+00, v19;
	v17 =	vand.u32 $0x7FFF7FFF, v17;
	v51 =	vsub.bf16 v18, v8  }
0x220: {  	v63 =	vld [tilespmem:s0+$0xFFFFFF50];
	v25 =	vpack.i.f32.bf16 v45, v44;
	v54 =	vsub.bf16 v17, v7;
	v17 =	vadd.bf16 v0, v17  }
0x221: {  	v47 =	vld [tilespmem:s0+$0xFFFFFFE0];
	v21 =	vand.u32 $0x7FFF7FFF, v21;
	v57 =	vand.u32 $0x7FFF7FFF, v24;
	v38 =	vmax.bf16 v62, v0  }
0x222: {  	v50 =	vld [tilespmem:s0+$0x60];
	v24 =	vpack.i.f32.bf16 v35, v58;
	v22 =	vand.u32 $0x7FFF7FFF, v22;
	v27 =	vand.u32 $0x7FFF7FFF, v27  }
0x223: {  	v49 =	vld [tilespmem:s0+$0xFFFFFFF0];
	v10 =	vand.u32 $0x7FFF7FFF, v41;
	v32 =	vsub.bf16 v21, v6;
	v34 =	vsub.bf16 v57, v5  }
0x224: {  	v52 =	vld [tilespmem:s0+$0x70];
	v15 =	vand.u32 $0x7FFF7FFF, v15;
	v48 =	vsub.bf16 v24, v9;
	v53 =	vsub.bf16 v22, v7  }
0x225: {  	v23 =	vand.u32 $0x7FFF7FFF, v23;
	v55 =	vsub.bf16 v10, v7;
	v22 =	vadd.bf16 v0, v22  }
0x226: {  	v10 =	vadd.bf16 v0, v10;
	v56 =	vsub.bf16 v15, v6;
	v29 =	vmax.bf16 v54, v0  }
0x227: {  	v17 =	vadd.bf16 v21, v17;
	v21 =	vpack.i.f32.bf16 v63, v60;
	v54 =	vsub.bf16 v27, v7  }
0x228: {  	v24 =	vpack.i.f32.bf16 v49, v47;
	v27 =	vadd.bf16 v0, v27;
	v60 =	vsub.bf16 v25, v4  }
0x229: {  	v18 =	vpack.i.f32.bf16 v52, v50;
	v29 =	vadd.bf16 v0, v29;
	v21 =	vsub.bf16 v21, v8  }
0x22a: {  	v37 =	vld [tilespmem:s0+$0xFFFFFFC0];
	v32 =	vmax.bf16 v32, v0;
	v15 =	vadd.bf16 v15, v22;
	v24 =	vsub.bf16 v24, v4  }
0x22b: {  	v39 =	vld [tilespmem:s0+$0xFFFFFFD0];
	v9 =	vand.u32 $0x7FFF7FFF, v48;
	v62 =	vsub.bf16 v18, v4;
	v17 =	vadd.bf16 v57, v17  }
0x22c: {  	v7 =	vmax.bf16 v55, v0;
	v57 =	vsub.bf16 v23, v6;
	v58 =	vsub.bf16 v9, v6  }
0x22d: {  	v61 =	vmax.bf16 v34, v0;
	v7 =	vadd.bf16 v0, v7;
	v23 =	vadd.bf16 v23, v27  }
0x22e: {  	v9 =	vadd.bf16 v9, v10;
	v29 =	vadd.bf16 v32, v29;
	v21 =	vand.u32 $0x7FFF7FFF, v21  }
0x22f: {  	v33 =	vand.u32 $0x7FFF7FFF, v24;
	v4 =	vand.u32 $0x7FFF7FFF, v62;
	v14 =	vadd.bf16 v14, v17  }
0x230: {  	v17 =	vpack.i.f32.bf16 v39, v37;
	v63 =	vmax.bf16 v57, v0;
	v30 =	vsub.bf16 v21, v5  }
0x231: {  	v6 =	vmax.bf16 v58, v0;
	v15 =	vadd.bf16 v21, v15;
	v37 =	vsub.bf16 v33, v3  }
0x232: {  	v36 =	vadd.bf16 v61, v29;
	v17 =	vsub.bf16 v17, v8;
	v29 =	vmax.bf16 v54, v0  }
0x233: {  	v8 =	vand.u32 $0x7FFF7FFF, v51;
	v61 =	vmax.bf16 v56, v0;
	v6 =	vadd.bf16 v6, v7  }
0x234: {  	v14 =	vmul.bf16 v1, v14;
	v29 =	vadd.bf16 v0, v29;
	v32 =	vsub.bf16 v8, v5  }
0x235: {  	v8 =	vadd.bf16 v8, v9;
	v26 =	vadd.bf16 v38, v36;
	v59 =	vand.u32 $0x7FFF7FFF, v17  }
0x236: {  	v17 =	vand.u32 $0x7FFF7FFF, v60;
	v31 =	vsub.bf16 v59, v5;
	v18 =	vadd.bf16 v63, v29  }
0x237: {  	v10 =	vadd.bf16 v59, v23;
	v14 =	vadd.bf16 v26, v14;
	v26 =	vmax.bf16 v53, v0  }
0x238: {  	v34 =	vmax.bf16 v30, v0;
	v36 =	vsub.bf16 v17, v3;
	v26 =	vadd.bf16 v0, v26  }
0x239: {  	v38 =	vmax.bf16 v37, v0;
	v3 =	vsub.bf16 v4, v3;
	v15 =	vadd.bf16 v17, v15  }
0x23a: {  	v5 =	vmax.bf16 v32, v0;
	v4 =	vadd.bf16 v4, v8;
	v25 =	vadd.bf16 v61, v26  }
0x23b: {  	v5 =	vadd.bf16 v5, v6;
	v35 =	vmax.bf16 v31, v0;
	v22 =	vmax.bf16 v36, v0  }
0x23c: {  	v7 =	vadd.bf16 v33, v10;
	v40 =	vmul.bf16 v1, v15;
	v21 =	vadd.bf16 v34, v25  }
0x23d: {  	v3 =	vmax.bf16 v3, v0;
	v4 =	vmul.bf16 v1, v4;
	v9 =	vadd.bf16 v35, v18  }
0x23e: {  	v46 =	vunpack.i.u.bf16.f32 v14;
	v14 =	vunpack.i.l.bf16.f32 v14;
	v39 =	vadd.bf16 v22, v21  }
0x23f: {  	v3 =	vadd.bf16 v3, v5;
	v7 =	vmul.bf16 v1, v7;
	v6 =	vadd.bf16 v38, v9  }
0x240: {  	v14 =	vadd.f32 v14, v46;
	v41 =	vadd.bf16 v39, v40  }
0x241: {  	v16 =	vmul.f32 $9.800000190e-01, v16;
	v3 =	vadd.bf16 v3, v4;
	v6 =	vadd.bf16 v6, v7  }
0x242: {  	v43 =	vmul.f32 $9.800000190e-01, v14;
	v44 =	vunpack.i.u.bf16.f32 v41;
	v5 =	vunpack.i.l.bf16.f32 v41  }
0x243: {  	v7 =	vunpack.i.u.bf16.f32 v6;
	v6 =	vunpack.i.l.bf16.f32 v6;
	v4 =	vadd.f32 v5, v44  }
0x244: {  	v45 =	vunpack.i.u.bf16.f32 v3;
	v3 =	vunpack.i.l.bf16.f32 v3;
	v6 =	vadd.f32 v6, v7  }
0x245: {  	(xrf2) =	vadd.scan.msk.f32 $0xffff, v20;
	v46 =	vsub.f32 $1.500000000e+00, v16;
	v3 =	vadd.f32 v3, v45;
	v4 =	vmul.f32 $9.800000190e-01, v4  }
0x246: {  	(xrf2) =	vadd.scan.msk.f32 $0xffff, v42;
	v47 =	vsub.f32 $1.500000000e+00, v43;
	v6 =	vmul.f32 $9.800000190e-01, v6  }
0x247: {  	s5 =	sadd.s32 $0x3, s3;
	(xrf2) =	vadd.scan.msk.f32 $0xffff, v46;
	v3 =	vmul.f32 $9.800000190e-01, v3;
	v4 =	vsub.f32 $1.500000000e+00, v4  }
0x248: {  	s7 =	sadd.s32 $0x1, s3;
	v49 =	vand.u32 $0x7E, v11;
	v52 =	vmov s5;
	(xrf2) =	vadd.scan.msk.f32 $0xffff, v47;
	v50 =	vsub.f32 $1.500000000e+00, v6  }
0x249: {  	v48 =	vbroadcast v12, $0x0;
	v58 =	vmov s7;
	v3 =	vsub.f32 $1.500000000e+00, v3;
	(xrf2) =	vadd.scan.msk.f32 $0xffff, v4  }
0x24a: {  	v51 =	vor.u32 v2, v13;
	v54 =	vand.u32 $0x7F, v52;
	v56 =	vmov s3;
	(xrf2) =	vadd.scan.msk.f32 $0xffff, v50  }
0x24b: {  	s1 =	sadd.s32 $0x2, s3;
	v55 =	vor.u32 v2, v54;
	v53 =	vor.u32 v2, v49;
	v6 =	vbroadcast v51, $0x0;
	(xrf2) =	vadd.scan.msk.f32 $0xffff, v3  }
0x24c: {  	v57 =	vand.u32 $0x7C, v56;
	v59 =	vmov s1;
	v4 =	vbroadcast v53, $0x0  }
0x24d: {  	v8 =	vand.u32 $0x7D, v58;
	v5 =	vor.u32 v2, v57;
	v3 =	vbroadcast v55, $0x0  }
0x24e: {  	v8 =	vor.u32 v2, v8;
	v9 =	vand.u32 $0x7E, v59;
	v5 =	vbroadcast v5, $0x0  }
0x24f: {  	v60, _, _ =	vpop (xrf2);
	v8 =	vbroadcast v8, $0x0;
	v2 =	vor.u32 v2, v9  }
0x250: {  	[tilespmem:v48+s22+$0x0] =	vst.idx.msk vm0, v60;
	v61, _, _ =	vpop (xrf2);
	v2 =	vbroadcast v2, $0x0  }
0x251: {  	v62, _, _ =	vpop (xrf2);
	[tilespmem:v6+s22+$0x0] =	vst.idx.msk vm0, v61  }
.Ltmp6:
0x252: {  	v63, _, _ =	vpop (xrf2);
	[tilespmem:v4+s22+$0x0] =	vst.idx.msk vm0, v62;
	(pc) =	sbr.rel @p0 .LBB2_12-.Ltmp6, $4  }
0x253: {  	[tilespmem:v3+s22+$0x0] =	vst.idx.msk vm0, v63;
	v3, _, _ =	vpop (xrf2)  }
0x254: {  	[tilespmem:v5+s22+$0x0] =	vst.idx.msk vm0, v3;
	v3, _, _ =	vpop (xrf2)  }
0x255: {  	[tilespmem:v8+s22+$0x0] =	vst.idx.msk vm0, v3;
	v3, _, _ =	vpop (xrf2)  }
0x256: {  	[tilespmem:v2+s22+$0x0] =	vst.idx.msk vm0, v3  }
.Ltmp7:
0x257: {  	(pc) =	sbr.rel .LBB2_6-.Ltmp7, $4  }
0x258: {  	_ = 	snop  }
0x259: {  	s0 =	sand.u32 $0x3FFFFF00, s31  }
0x25a: {  	s30 =	sadd.s32 $0x1, s30;
	s0 =	sadd.s32 $0x280, s0  }
0x25b: {  	[tilespmem:s20], [sflag:$0x2] =	stream.indirect.gather [hbm4b:s2+s16], $0x80, s0, s16, $0xb8;
	[tilespmem:$0x1C100] =	vst v63  }
.LBB2_13:
0x25c: {  	_ =	sfence.sel $0x180000  }
0x25d: {  	[bflag:$0x0] =	sbarrier.arrive $0xFFFF  }
0x25e: {  	_ =	strace $0x90000047  }
0x25f: {  	s0 =	stileid.u32;
	[bflag:$0x2] =	sbarrier.arrive $0xFFFF  }
0x260: {  	p0 =	sne.s32 s0, $0x0;
	s0 =	rddreg [dreg:$0xb]  }
0x261: {  	s0 =	sadd.s32 @!p0 $0x100000, s0  }
0x262: {  	[sflag:s0] =	ssyncadd.tile.s32 @!p0 $0x1;
	_ =	shalt  }
.Lfunc_end2:
_tile_overlayer_lowered:
.L_overlay_start_2:
0x263: {  	(tag) =	ssettag $0x2  }
0x264: {  	s0 =	rddreg [dreg:$0x0];
	s2 =	stileid.u32  }
0x265: {  	s1 =	rddreg [dreg:$0x1];
	p0 =	sne.s32 s2, $0x0  }
0x266: {  	s3 =	rddreg [dreg:$0x2];
	[bflag:$0x3] =	sbarrier.arrive $0xFFFF;
	s2 =	simm.s32 @!p0 $0x1C04  }
0x267: {  	[timem:s3], [sflag:s2] =	dma.local @!p0 [hbm:s0], s1  }
0x268: {  	s0 =	simm.s32 @!p0 $0x4  }
0x269: {  	_ =	swait.ge @!p0 [sflag:s0], s1  }
0x26a: {  	s1 =	ssub.s32 @!p0 $0x0, s1;
	[sflag:s0] =	ssyncset.done @!p0 $0x0  }
0x26b: {  	[sflag:s0] =	ssyncadd.s32 @!p0 s1  }
0x26c: {  	[bflag:$0x3] =	sbarrier.arrive $0xFFFF  }
0x26d: {  	_ =	shalt  }

</sc_bundles>
